<compile_context>
chip_gen: v7x
topology: tpu7x:2x2x1
jax: 0.10.2.dev20260603
libtpu: 0.0.44.dev20260713+nightly
codegen_flags: <defaults>
</compile_context>

<pallas_src>
import functools

import jax
import jax.numpy as jnp
from jax import lax
from jax.experimental import pallas as pl
from jax.experimental.pallas import tpu as pltpu
from jax.experimental.pallas import tpu_sc as plsc

N_ROWS = 100000
D = 128
N_TABLE = 1024
NC = 2
NS = 16
NW = NC * NS

CHUNK = 3136
LAST_BASE = N_ROWS - CHUNK
BLK = 224
NBLK = CHUNK // BLK
NBUF = 4
LOOK = NBUF - 2


def _body(x_hbm, idx_hbm, b_hbm, out_hbm, idx_all, b_sh, *bufs_and_sems):
    rows = bufs_and_sems[:NBUF]
    sem_x = bufs_and_sems[NBUF:2 * NBUF]
    sem_g = bufs_and_sems[2 * NBUF:3 * NBUF]
    sem_o = bufs_and_sems[3 * NBUF:4 * NBUF]
    sem_i = bufs_and_sems[4 * NBUF]

    sid = lax.axis_index("s")
    wid = sid * NC + lax.axis_index("c")
    base = jnp.minimum(wid * CHUNK, LAST_BASE)

    x_h = [None] * NBLK
    g_h = [None] * NBLK
    o_h = [None] * NBLK

    def start_x(j):
        buf = j % NBUF
        x_h[j] = pltpu.async_copy(
            x_hbm.at[pl.ds(base + j * BLK, BLK)], rows[buf], sem_x[buf])

    def start_gather_add(j):
        buf = j % NBUF
        g_h[j] = pltpu.async_copy(
            b_sh.at[idx_all.at[pl.ds(j * BLK, BLK)]], rows[buf],
            sem_g[buf], add=True)

    def start_out(j):
        buf = j % NBUF
        o_h[j] = pltpu.async_copy(
            rows[buf], out_hbm.at[pl.ds(base + j * BLK, BLK)], sem_o[buf])

    for j in range(min(LOOK, NBLK)):
        start_x(j)
    idx_h = pltpu.async_copy(idx_hbm.at[pl.ds(base, CHUNK)], idx_all, sem_i)

    @pl.when(sid == 0)
    def _():
        pltpu.sync_copy(b_hbm, b_sh)

    idx_h.wait()
    plsc.subcore_barrier()

    for j in range(NBLK):
        x_h[j].wait()
        start_gather_add(j)
        if j + LOOK < NBLK:
            if j >= 2:
                o_h[j - 2].wait()
            start_x(j + LOOK)
        if j >= 1:
            g_h[j - 1].wait()
            start_out(j - 1)
    g_h[NBLK - 1].wait()
    start_out(NBLK - 1)
    for j in range(max(0, NBLK - LOOK - 2), NBLK):
        o_h[j].wait()


@functools.partial(jax.jit, donate_argnums=())
def _run(x, batch, b):
    mesh = plsc.VectorSubcoreMesh(
        core_axis_name="c", subcore_axis_name="s", num_cores=NC, num_subcores=NS
    )
    f = pl.kernel(
        _body,
        out_type=jax.ShapeDtypeStruct((N_ROWS, D), jnp.float32),
        mesh=mesh,
        scratch_types=(
            [pltpu.VMEM((CHUNK,), jnp.int32),
             pltpu.MemorySpace.VMEM_SHARED((N_TABLE, D), jnp.float32)]
            + [pltpu.VMEM((BLK, D), jnp.float32) for _ in range(NBUF)]
            + [pltpu.SemaphoreType.DMA for _ in range(3 * NBUF + 1)]
        ),
    )
    return f(x, batch, b)


def kernel(x, batch, b):
    return _run(x, batch.astype(jnp.int32), b)

# --- scband reference (transcript-rebuilt; emitter-appended) ---
"""Pipeline reference for scband-prompt-38233798869096 (READ-ONLY COPY).

The authoritative reference and input builder live on the scoring server;
editing this copy changes nothing except your own understanding.
"""

import jax, jax.numpy as jnp
import numpy as np

N_NODES = 100000
D_FEAT = 128
NUM_PROMPTS = 1024
ADV_STEP_SIZE = 0.008

def setup_inputs(seed: int = 0) -> dict:
    key = jax.random.key(seed)
    k1, k2, k3 = jax.random.split(key, 3)
    x = jax.random.normal(k1, (N_NODES, D_FEAT), dtype=jnp.float32)
    batch = jnp.sort(jax.random.randint(k2, (N_NODES,), 0, NUM_PROMPTS, dtype=jnp.int64))
    # lazily-initialized parameter b in the torch module: shape [max(batch)+1, d],
    # uniform init in (-ADV_STEP_SIZE, ADV_STEP_SIZE)
    b = jax.random.uniform(k3, (NUM_PROMPTS, D_FEAT), minval=-ADV_STEP_SIZE, maxval=ADV_STEP_SIZE, dtype=jnp.float32)
    return {"x": x, "batch": batch, "b": b}

def reference(x, batch, b):
    # Faithful translation of Prompt.forward: x + b[batch]
    return x + jnp.take(b, batch, axis=0)

if __name__ == "__main__":
    import jax
    _d = setup_inputs()
    print(jax.jit(kernel)(*tuple(_d.values())))

</pallas_src>

<mosaic_0001>
#map = affine_map<(d0, d1) -> (0, 0)>
#map1 = affine_map<(d0, d1) -> (0)>
module attributes {stable_mosaic.version = 14 : i64} {
  func.func @_body(%arg0: i32, %arg1: i32, %arg2: memref<100000x128xf32, #tpu.memory_space<hbm>>, %arg3: memref<100000xi32, #tpu.memory_space<hbm>>, %arg4: memref<1024x128xf32, #tpu.memory_space<hbm>>, %arg5: memref<100000x128xf32, #tpu.memory_space<hbm>>, %arg6: memref<3136xi32, #tpu.memory_space<vmem>>, %arg7: memref<1024x128xf32, #tpu.memory_space<vmem_shared>>, %arg8: memref<224x128xf32, #tpu.memory_space<vmem>>, %arg9: memref<224x128xf32, #tpu.memory_space<vmem>>, %arg10: memref<224x128xf32, #tpu.memory_space<vmem>>, %arg11: memref<224x128xf32, #tpu.memory_space<vmem>>, %arg12: memref<!tpu.dma_semaphore, #tpu.memory_space<semaphore_mem>>, %arg13: memref<!tpu.dma_semaphore, #tpu.memory_space<semaphore_mem>>, %arg14: memref<!tpu.dma_semaphore, #tpu.memory_space<semaphore_mem>>, %arg15: memref<!tpu.dma_semaphore, #tpu.memory_space<semaphore_mem>>, %arg16: memref<!tpu.dma_semaphore, #tpu.memory_space<semaphore_mem>>, %arg17: memref<!tpu.dma_semaphore, #tpu.memory_space<semaphore_mem>>, %arg18: memref<!tpu.dma_semaphore, #tpu.memory_space<semaphore_mem>>, %arg19: memref<!tpu.dma_semaphore, #tpu.memory_space<semaphore_mem>>, %arg20: memref<!tpu.dma_semaphore, #tpu.memory_space<semaphore_mem>>, %arg21: memref<!tpu.dma_semaphore, #tpu.memory_space<semaphore_mem>>, %arg22: memref<!tpu.dma_semaphore, #tpu.memory_space<semaphore_mem>>, %arg23: memref<!tpu.dma_semaphore, #tpu.memory_space<semaphore_mem>>, %arg24: memref<!tpu.dma_semaphore, #tpu.memory_space<semaphore_mem>>) attributes {dimension_semantics = [#tpu.dimension_semantics<core_parallel>, #tpu.dimension_semantics<subcore_parallel>], iteration_bounds = array<i64: 2, 16>, scalar_prefetch = 0 : i64, scratch_operands = 19 : i64, tpu.core_type = #tpu.core_type<sc_vector_subcore>, window_params = [{transform_indices = #map}, {transform_indices = #map1}, {transform_indices = #map}, {transform_indices = #map}]} {
    %mul3A = arith.constant 2 : i32
    %mul3A_0 = arith.muli %arg1, %mul3A : i32
    %add3A = arith.addi %mul3A_0, %arg0 : i32
    %mul3A_1 = arith.constant 3136 : i32
    %mul3A_2 = arith.muli %add3A, %mul3A_1 : i32
    %min3A = arith.constant 96864 : i32
    %min3A_3 = arith.minsi %mul3A_2, %min3A : i32
    %add3A_4 = arith.constant 0 : i32
    %add3A_5 = arith.addi %min3A_3, %add3A_4 : i32
    %dma_start3A = arith.constant 0 : i32
    %dma_start3A_6 = tpu.memref_slice %arg2[%add3A_5, %dma_start3A] : memref<100000x128xf32, #tpu.memory_space<hbm>> -> memref<224x128xf32, #tpu.memory_space<hbm>>
    %dma_start3A_7 = arith.constant 0 : i32
    %dma_start3A_8 = tpu.memref_slice %arg2[%add3A_5, %dma_start3A_7] : memref<100000x128xf32, #tpu.memory_space<hbm>> -> memref<224x128xf32, #tpu.memory_space<hbm>>
    tpu.enqueue_dma source(%dma_start3A_8 : memref<224x128xf32, #tpu.memory_space<hbm>>) target(%arg8 : memref<224x128xf32, #tpu.memory_space<vmem>>) target_semaphore(%arg12 : memref<!tpu.dma_semaphore, #tpu.memory_space<semaphore_mem>>)
    %add3A_9 = arith.constant 224 : i32
    %add3A_10 = arith.addi %min3A_3, %add3A_9 : i32
    %dma_start3A_11 = arith.constant 0 : i32
    %dma_start3A_12 = tpu.memref_slice %arg2[%add3A_10, %dma_start3A_11] : memref<100000x128xf32, #tpu.memory_space<hbm>> -> memref<224x128xf32, #tpu.memory_space<hbm>>
    %dma_start3A_13 = arith.constant 0 : i32
    %dma_start3A_14 = tpu.memref_slice %arg2[%add3A_10, %dma_start3A_13] : memref<100000x128xf32, #tpu.memory_space<hbm>> -> memref<224x128xf32, #tpu.memory_space<hbm>>
    tpu.enqueue_dma source(%dma_start3A_14 : memref<224x128xf32, #tpu.memory_space<hbm>>) target(%arg9 : memref<224x128xf32, #tpu.memory_space<vmem>>) target_semaphore(%arg13 : memref<!tpu.dma_semaphore, #tpu.memory_space<semaphore_mem>>)
    %dma_start3A_15 = tpu.memref_slice %arg3[%min3A_3] : memref<100000xi32, #tpu.memory_space<hbm>> -> memref<3136xi32, #tpu.memory_space<hbm>>
    %dma_start3A_16 = tpu.memref_slice %arg3[%min3A_3] : memref<100000xi32, #tpu.memory_space<hbm>> -> memref<3136xi32, #tpu.memory_space<hbm>>
    tpu.enqueue_dma source(%dma_start3A_16 : memref<3136xi32, #tpu.memory_space<hbm>>) target(%arg6 : memref<3136xi32, #tpu.memory_space<vmem>>) target_semaphore(%arg24 : memref<!tpu.dma_semaphore, #tpu.memory_space<semaphore_mem>>)
    %eq3A = arith.constant 0 : i32
    %eq3A_17 = arith.cmpi eq, %arg1, %eq3A : i32
    %convert_element_type3A = arith.extui %eq3A_17 : i1 to i32
    %cond3A = arith.constant 0 : i32
    %cond3A_18 = arith.cmpi ne, %convert_element_type3A, %cond3A : i32
    scf.if %cond3A_18 {
      "tpu.region"() ({
        %run_scoped3A = tpu.sem_alloc : memref<!tpu.dma_semaphore, #tpu.memory_space<semaphore_mem>>
        tpu.enqueue_dma source(%arg4 : memref<1024x128xf32, #tpu.memory_space<hbm>>) target(%arg7 : memref<1024x128xf32, #tpu.memory_space<vmem_shared>>) target_semaphore(%run_scoped3A : memref<!tpu.dma_semaphore, #tpu.memory_space<semaphore_mem>>)
        tpu.wait_dma2 semaphore(%run_scoped3A : memref<!tpu.dma_semaphore, #tpu.memory_space<semaphore_mem>>) src(%arg4 : memref<1024x128xf32, #tpu.memory_space<hbm>>) dst(%arg7 : memref<1024x128xf32, #tpu.memory_space<vmem_shared>>)
        tpu.yield
      }) : () -> ()
    } else {
    }
    %dma_wait3A = tpu.memref_slice %arg3[%min3A_3] : memref<100000xi32, #tpu.memory_space<hbm>> -> memref<3136xi32, #tpu.memory_space<hbm>>
    %dma_wait3A_19 = tpu.memref_slice %arg3[%min3A_3] : memref<100000xi32, #tpu.memory_space<hbm>> -> memref<3136xi32, #tpu.memory_space<hbm>>
    tpu.wait_dma2 semaphore(%arg24 : memref<!tpu.dma_semaphore, #tpu.memory_space<semaphore_mem>>) src(%dma_wait3A_19 : memref<3136xi32, #tpu.memory_space<hbm>>) dst(%arg6 : memref<3136xi32, #tpu.memory_space<vmem>>)
    %barrier3A = arith.constant 0 : index
    tpu.barrier barrier_id(%barrier3A)
    %dma_wait3A_20 = arith.constant 0 : i32
    %dma_wait3A_21 = tpu.memref_slice %arg2[%add3A_5, %dma_wait3A_20] : memref<100000x128xf32, #tpu.memory_space<hbm>> -> memref<224x128xf32, #tpu.memory_space<hbm>>
    %dma_wait3A_22 = arith.constant 0 : i32
    %dma_wait3A_23 = tpu.memref_slice %arg2[%add3A_5, %dma_wait3A_22] : memref<100000x128xf32, #tpu.memory_space<hbm>> -> memref<224x128xf32, #tpu.memory_space<hbm>>
    tpu.wait_dma2 semaphore(%arg12 : memref<!tpu.dma_semaphore, #tpu.memory_space<semaphore_mem>>) src(%dma_wait3A_23 : memref<224x128xf32, #tpu.memory_space<hbm>>) dst(%arg8 : memref<224x128xf32, #tpu.memory_space<vmem>>)
    %dma_start3A_24 = arith.constant 0 : i32
    %dma_start3A_25 = tpu.memref_slice %arg6[%dma_start3A_24] : memref<3136xi32, #tpu.memory_space<vmem>> -> memref<224xi32, #tpu.memory_space<vmem>>
    %dma_start3A_26 = arith.constant 0 : i32
    %dma_start3A_27 = arith.constant 0 : i32
    %dma_start3A_28 = tpu.memref_slice %arg7[%dma_start3A_26, %dma_start3A_27] : memref<1024x128xf32, #tpu.memory_space<vmem_shared>> -> memref<1024x128xf32, #tpu.memory_space<vmem_shared>>
    tpu.enqueue_indirect_dma source(%dma_start3A_28 : memref<1024x128xf32, #tpu.memory_space<vmem_shared>>) target(%arg8 : memref<224x128xf32, #tpu.memory_space<vmem>>) offsets(%dma_start3A_25 : memref<224xi32, #tpu.memory_space<vmem>>) semaphore(%arg16 : memref<!tpu.dma_semaphore, #tpu.memory_space<semaphore_mem>>) {add = true}
    %add3A_29 = arith.constant 448 : i32
    %add3A_30 = arith.addi %min3A_3, %add3A_29 : i32
    %dma_start3A_31 = arith.constant 0 : i32
    %dma_start3A_32 = tpu.memref_slice %arg2[%add3A_30, %dma_start3A_31] : memref<100000x128xf32, #tpu.memory_space<hbm>> -> memref<224x128xf32, #tpu.memory_space<hbm>>
    %dma_start3A_33 = arith.constant 0 : i32
    %dma_start3A_34 = tpu.memref_slice %arg2[%add3A_30, %dma_start3A_33] : memref<100000x128xf32, #tpu.memory_space<hbm>> -> memref<224x128xf32, #tpu.memory_space<hbm>>
    tpu.enqueue_dma source(%dma_start3A_34 : memref<224x128xf32, #tpu.memory_space<hbm>>) target(%arg10 : memref<224x128xf32, #tpu.memory_space<vmem>>) target_semaphore(%arg14 : memref<!tpu.dma_semaphore, #tpu.memory_space<semaphore_mem>>)
    %dma_wait3A_35 = arith.constant 0 : i32
    %dma_wait3A_36 = tpu.memref_slice %arg2[%add3A_10, %dma_wait3A_35] : memref<100000x128xf32, #tpu.memory_space<hbm>> -> memref<224x128xf32, #tpu.memory_space<hbm>>
    %dma_wait3A_37 = arith.constant 0 : i32
    %dma_wait3A_38 = tpu.memref_slice %arg2[%add3A_10, %dma_wait3A_37] : memref<100000x128xf32, #tpu.memory_space<hbm>> -> memref<224x128xf32, #tpu.memory_space<hbm>>
    tpu.wait_dma2 semaphore(%arg13 : memref<!tpu.dma_semaphore, #tpu.memory_space<semaphore_mem>>) src(%dma_wait3A_38 : memref<224x128xf32, #tpu.memory_space<hbm>>) dst(%arg9 : memref<224x128xf32, #tpu.memory_space<vmem>>)
    %dma_start3A_39 = arith.constant 224 : i32
    %dma_start3A_40 = tpu.memref_slice %arg6[%dma_start3A_39] : memref<3136xi32, #tpu.memory_space<vmem>> -> memref<224xi32, #tpu.memory_space<vmem>>
    %dma_start3A_41 = arith.constant 0 : i32
    %dma_start3A_42 = arith.constant 0 : i32
    %dma_start3A_43 = tpu.memref_slice %arg7[%dma_start3A_41, %dma_start3A_42] : memref<1024x128xf32, #tpu.memory_space<vmem_shared>> -> memref<1024x128xf32, #tpu.memory_space<vmem_shared>>
    tpu.enqueue_indirect_dma source(%dma_start3A_43 : memref<1024x128xf32, #tpu.memory_space<vmem_shared>>) target(%arg9 : memref<224x128xf32, #tpu.memory_space<vmem>>) offsets(%dma_start3A_40 : memref<224xi32, #tpu.memory_space<vmem>>) semaphore(%arg17 : memref<!tpu.dma_semaphore, #tpu.memory_space<semaphore_mem>>) {add = true}
    %add3A_44 = arith.constant 672 : i32
    %add3A_45 = arith.addi %min3A_3, %add3A_44 : i32
    %dma_start3A_46 = arith.constant 0 : i32
    %dma_start3A_47 = tpu.memref_slice %arg2[%add3A_45, %dma_start3A_46] : memref<100000x128xf32, #tpu.memory_space<hbm>> -> memref<224x128xf32, #tpu.memory_space<hbm>>
    %dma_start3A_48 = arith.constant 0 : i32
    %dma_start3A_49 = tpu.memref_slice %arg2[%add3A_45, %dma_start3A_48] : memref<100000x128xf32, #tpu.memory_space<hbm>> -> memref<224x128xf32, #tpu.memory_space<hbm>>
    tpu.enqueue_dma source(%dma_start3A_49 : memref<224x128xf32, #tpu.memory_space<hbm>>) target(%arg11 : memref<224x128xf32, #tpu.memory_space<vmem>>) target_semaphore(%arg15 : memref<!tpu.dma_semaphore, #tpu.memory_space<semaphore_mem>>)
    %dma_wait3A_50 = arith.constant 0 : i32
    %dma_wait3A_51 = tpu.memref_slice %arg6[%dma_wait3A_50] : memref<3136xi32, #tpu.memory_space<vmem>> -> memref<224xi32, #tpu.memory_space<vmem>>
    %dma_wait3A_52 = arith.constant 0 : i32
    %dma_wait3A_53 = arith.constant 0 : i32
    %dma_wait3A_54 = tpu.memref_slice %arg7[%dma_wait3A_52, %dma_wait3A_53] : memref<1024x128xf32, #tpu.memory_space<vmem_shared>> -> memref<1024x128xf32, #tpu.memory_space<vmem_shared>>
    tpu.wait_indirect_dma semaphore(%arg16 : memref<!tpu.dma_semaphore, #tpu.memory_space<semaphore_mem>>) src(%dma_wait3A_54 : memref<1024x128xf32, #tpu.memory_space<vmem_shared>>) dst(%arg8 : memref<224x128xf32, #tpu.memory_space<vmem>>)
    %add3A_55 = arith.constant 0 : i32
    %add3A_56 = arith.addi %min3A_3, %add3A_55 : i32
    %dma_start3A_57 = arith.constant 0 : i32
    %dma_start3A_58 = tpu.memref_slice %arg5[%add3A_56, %dma_start3A_57] : memref<100000x128xf32, #tpu.memory_space<hbm>> -> memref<224x128xf32, #tpu.memory_space<hbm>>
    %dma_start3A_59 = arith.constant 0 : i32
    %dma_start3A_60 = tpu.memref_slice %arg5[%add3A_56, %dma_start3A_59] : memref<100000x128xf32, #tpu.memory_space<hbm>> -> memref<224x128xf32, #tpu.memory_space<hbm>>
    tpu.enqueue_dma source(%arg8 : memref<224x128xf32, #tpu.memory_space<vmem>>) target(%dma_start3A_60 : memref<224x128xf32, #tpu.memory_space<hbm>>) target_semaphore(%arg20 : memref<!tpu.dma_semaphore, #tpu.memory_space<semaphore_mem>>)
    %dma_wait3A_61 = arith.constant 0 : i32
    %dma_wait3A_62 = tpu.memref_slice %arg2[%add3A_30, %dma_wait3A_61] : memref<100000x128xf32, #tpu.memory_space<hbm>> -> memref<224x128xf32, #tpu.memory_space<hbm>>
    %dma_wait3A_63 = arith.constant 0 : i32
    %dma_wait3A_64 = tpu.memref_slice %arg2[%add3A_30, %dma_wait3A_63] : memref<100000x128xf32, #tpu.memory_space<hbm>> -> memref<224x128xf32, #tpu.memory_space<hbm>>
    tpu.wait_dma2 semaphore(%arg14 : memref<!tpu.dma_semaphore, #tpu.memory_space<semaphore_mem>>) src(%dma_wait3A_64 : memref<224x128xf32, #tpu.memory_space<hbm>>) dst(%arg10 : memref<224x128xf32, #tpu.memory_space<vmem>>)
    %dma_start3A_65 = arith.constant 448 : i32
    %dma_start3A_66 = tpu.memref_slice %arg6[%dma_start3A_65] : memref<3136xi32, #tpu.memory_space<vmem>> -> memref<224xi32, #tpu.memory_space<vmem>>
    %dma_start3A_67 = arith.constant 0 : i32
    %dma_start3A_68 = arith.constant 0 : i32
    %dma_start3A_69 = tpu.memref_slice %arg7[%dma_start3A_67, %dma_start3A_68] : memref<1024x128xf32, #tpu.memory_space<vmem_shared>> -> memref<1024x128xf32, #tpu.memory_space<vmem_shared>>
    tpu.enqueue_indirect_dma source(%dma_start3A_69 : memref<1024x128xf32, #tpu.memory_space<vmem_shared>>) target(%arg10 : memref<224x128xf32, #tpu.memory_space<vmem>>) offsets(%dma_start3A_66 : memref<224xi32, #tpu.memory_space<vmem>>) semaphore(%arg18 : memref<!tpu.dma_semaphore, #tpu.memory_space<semaphore_mem>>) {add = true}
    %dma_wait3A_70 = arith.constant 0 : i32
    %dma_wait3A_71 = tpu.memref_slice %arg5[%add3A_56, %dma_wait3A_70] : memref<100000x128xf32, #tpu.memory_space<hbm>> -> memref<224x128xf32, #tpu.memory_space<hbm>>
    %dma_wait3A_72 = arith.constant 0 : i32
    %dma_wait3A_73 = tpu.memref_slice %arg5[%add3A_56, %dma_wait3A_72] : memref<100000x128xf32, #tpu.memory_space<hbm>> -> memref<224x128xf32, #tpu.memory_space<hbm>>
    tpu.wait_dma2 semaphore(%arg20 : memref<!tpu.dma_semaphore, #tpu.memory_space<semaphore_mem>>) src(%arg8 : memref<224x128xf32, #tpu.memory_space<vmem>>) dst(%dma_wait3A_73 : memref<224x128xf32, #tpu.memory_space<hbm>>)
    %add3A_74 = arith.constant 896 : i32
    %add3A_75 = arith.addi %min3A_3, %add3A_74 : i32
    %dma_start3A_76 = arith.constant 0 : i32
    %dma_start3A_77 = tpu.memref_slice %arg2[%add3A_75, %dma_start3A_76] : memref<100000x128xf32, #tpu.memory_space<hbm>> -> memref<224x128xf32, #tpu.memory_space<hbm>>
    %dma_start3A_78 = arith.constant 0 : i32
    %dma_start3A_79 = tpu.memref_slice %arg2[%add3A_75, %dma_start3A_78] : memref<100000x128xf32, #tpu.memory_space<hbm>> -> memref<224x128xf32, #tpu.memory_space<hbm>>
    tpu.enqueue_dma source(%dma_start3A_79 : memref<224x128xf32, #tpu.memory_space<hbm>>) target(%arg8 : memref<224x128xf32, #tpu.memory_space<vmem>>) target_semaphore(%arg12 : memref<!tpu.dma_semaphore, #tpu.memory_space<semaphore_mem>>)
    %dma_wait3A_80 = arith.constant 224 : i32
    %dma_wait3A_81 = tpu.memref_slice %arg6[%dma_wait3A_80] : memref<3136xi32, #tpu.memory_space<vmem>> -> memref<224xi32, #tpu.memory_space<vmem>>
    %dma_wait3A_82 = arith.constant 0 : i32
    %dma_wait3A_83 = arith.constant 0 : i32
    %dma_wait3A_84 = tpu.memref_slice %arg7[%dma_wait3A_82, %dma_wait3A_83] : memref<1024x128xf32, #tpu.memory_space<vmem_shared>> -> memref<1024x128xf32, #tpu.memory_space<vmem_shared>>
    tpu.wait_indirect_dma semaphore(%arg17 : memref<!tpu.dma_semaphore, #tpu.memory_space<semaphore_mem>>) src(%dma_wait3A_84 : memref<1024x128xf32, #tpu.memory_space<vmem_shared>>) dst(%arg9 : memref<224x128xf32, #tpu.memory_space<vmem>>)
    %add3A_85 = arith.constant 224 : i32
    %add3A_86 = arith.addi %min3A_3, %add3A_85 : i32
    %dma_start3A_87 = arith.constant 0 : i32
    %dma_start3A_88 = tpu.memref_slice %arg5[%add3A_86, %dma_start3A_87] : memref<100000x128xf32, #tpu.memory_space<hbm>> -> memref<224x128xf32, #tpu.memory_space<hbm>>
    %dma_start3A_89 = arith.constant 0 : i32
    %dma_start3A_90 = tpu.memref_slice %arg5[%add3A_86, %dma_start3A_89] : memref<100000x128xf32, #tpu.memory_space<hbm>> -> memref<224x128xf32, #tpu.memory_space<hbm>>
    tpu.enqueue_dma source(%arg9 : memref<224x128xf32, #tpu.memory_space<vmem>>) target(%dma_start3A_90 : memref<224x128xf32, #tpu.memory_space<hbm>>) target_semaphore(%arg21 : memref<!tpu.dma_semaphore, #tpu.memory_space<semaphore_mem>>)
    %dma_wait3A_91 = arith.constant 0 : i32
    %dma_wait3A_92 = tpu.memref_slice %arg2[%add3A_45, %dma_wait3A_91] : memref<100000x128xf32, #tpu.memory_space<hbm>> -> memref<224x128xf32, #tpu.memory_space<hbm>>
    %dma_wait3A_93 = arith.constant 0 : i32
    %dma_wait3A_94 = tpu.memref_slice %arg2[%add3A_45, %dma_wait3A_93] : memref<100000x128xf32, #tpu.memory_space<hbm>> -> memref<224x128xf32, #tpu.memory_space<hbm>>
    tpu.wait_dma2 semaphore(%arg15 : memref<!tpu.dma_semaphore, #tpu.memory_space<semaphore_mem>>) src(%dma_wait3A_94 : memref<224x128xf32, #tpu.memory_space<hbm>>) dst(%arg11 : memref<224x128xf32, #tpu.memory_space<vmem>>)
    %dma_start3A_95 = arith.constant 672 : i32
    %dma_start3A_96 = tpu.memref_slice %arg6[%dma_start3A_95] : memref<3136xi32, #tpu.memory_space<vmem>> -> memref<224xi32, #tpu.memory_space<vmem>>
    %dma_start3A_97 = arith.constant 0 : i32
    %dma_start3A_98 = arith.constant 0 : i32
    %dma_start3A_99 = tpu.memref_slice %arg7[%dma_start3A_97, %dma_start3A_98] : memref<1024x128xf32, #tpu.memory_space<vmem_shared>> -> memref<1024x128xf32, #tpu.memory_space<vmem_shared>>
    tpu.enqueue_indirect_dma source(%dma_start3A_99 : memref<1024x128xf32, #tpu.memory_space<vmem_shared>>) target(%arg11 : memref<224x128xf32, #tpu.memory_space<vmem>>) offsets(%dma_start3A_96 : memref<224xi32, #tpu.memory_space<vmem>>) semaphore(%arg19 : memref<!tpu.dma_semaphore, #tpu.memory_space<semaphore_mem>>) {add = true}
    %dma_wait3A_100 = arith.constant 0 : i32
    %dma_wait3A_101 = tpu.memref_slice %arg5[%add3A_86, %dma_wait3A_100] : memref<100000x128xf32, #tpu.memory_space<hbm>> -> memref<224x128xf32, #tpu.memory_space<hbm>>
    %dma_wait3A_102 = arith.constant 0 : i32
    %dma_wait3A_103 = tpu.memref_slice %arg5[%add3A_86, %dma_wait3A_102] : memref<100000x128xf32, #tpu.memory_space<hbm>> -> memref<224x128xf32, #tpu.memory_space<hbm>>
    tpu.wait_dma2 semaphore(%arg21 : memref<!tpu.dma_semaphore, #tpu.memory_space<semaphore_mem>>) src(%arg9 : memref<224x128xf32, #tpu.memory_space<vmem>>) dst(%dma_wait3A_103 : memref<224x128xf32, #tpu.memory_space<hbm>>)
    %add3A_104 = arith.constant 1120 : i32
    %add3A_105 = arith.addi %min3A_3, %add3A_104 : i32
    %dma_start3A_106 = arith.constant 0 : i32
    %dma_start3A_107 = tpu.memref_slice %arg2[%add3A_105, %dma_start3A_106] : memref<100000x128xf32, #tpu.memory_space<hbm>> -> memref<224x128xf32, #tpu.memory_space<hbm>>
    %dma_start3A_108 = arith.constant 0 : i32
    %dma_start3A_109 = tpu.memref_slice %arg2[%add3A_105, %dma_start3A_108] : memref<100000x128xf32, #tpu.memory_space<hbm>> -> memref<224x128xf32, #tpu.memory_space<hbm>>
    tpu.enqueue_dma source(%dma_start3A_109 : memref<224x128xf32, #tpu.memory_space<hbm>>) target(%arg9 : memref<224x128xf32, #tpu.memory_space<vmem>>) target_semaphore(%arg13 : memref<!tpu.dma_semaphore, #tpu.memory_space<semaphore_mem>>)
    %dma_wait3A_110 = arith.constant 448 : i32
    %dma_wait3A_111 = tpu.memref_slice %arg6[%dma_wait3A_110] : memref<3136xi32, #tpu.memory_space<vmem>> -> memref<224xi32, #tpu.memory_space<vmem>>
    %dma_wait3A_112 = arith.constant 0 : i32
    %dma_wait3A_113 = arith.constant 0 : i32
    %dma_wait3A_114 = tpu.memref_slice %arg7[%dma_wait3A_112, %dma_wait3A_113] : memref<1024x128xf32, #tpu.memory_space<vmem_shared>> -> memref<1024x128xf32, #tpu.memory_space<vmem_shared>>
    tpu.wait_indirect_dma semaphore(%arg18 : memref<!tpu.dma_semaphore, #tpu.memory_space<semaphore_mem>>) src(%dma_wait3A_114 : memref<1024x128xf32, #tpu.memory_space<vmem_shared>>) dst(%arg10 : memref<224x128xf32, #tpu.memory_space<vmem>>)
    %add3A_115 = arith.constant 448 : i32
    %add3A_116 = arith.addi %min3A_3, %add3A_115 : i32
    %dma_start3A_117 = arith.constant 0 : i32
    %dma_start3A_118 = tpu.memref_slice %arg5[%add3A_116, %dma_start3A_117] : memref<100000x128xf32, #tpu.memory_space<hbm>> -> memref<224x128xf32, #tpu.memory_space<hbm>>
    %dma_start3A_119 = arith.constant 0 : i32
    %dma_start3A_120 = tpu.memref_slice %arg5[%add3A_116, %dma_start3A_119] : memref<100000x128xf32, #tpu.memory_space<hbm>> -> memref<224x128xf32, #tpu.memory_space<hbm>>
    tpu.enqueue_dma source(%arg10 : memref<224x128xf32, #tpu.memory_space<vmem>>) target(%dma_start3A_120 : memref<224x128xf32, #tpu.memory_space<hbm>>) target_semaphore(%arg22 : memref<!tpu.dma_semaphore, #tpu.memory_space<semaphore_mem>>)
    %dma_wait3A_121 = arith.constant 0 : i32
    %dma_wait3A_122 = tpu.memref_slice %arg2[%add3A_75, %dma_wait3A_121] : memref<100000x128xf32, #tpu.memory_space<hbm>> -> memref<224x128xf32, #tpu.memory_space<hbm>>
    %dma_wait3A_123 = arith.constant 0 : i32
    %dma_wait3A_124 = tpu.memref_slice %arg2[%add3A_75, %dma_wait3A_123] : memref<100000x128xf32, #tpu.memory_space<hbm>> -> memref<224x128xf32, #tpu.memory_space<hbm>>
    tpu.wait_dma2 semaphore(%arg12 : memref<!tpu.dma_semaphore, #tpu.memory_space<semaphore_mem>>) src(%dma_wait3A_124 : memref<224x128xf32, #tpu.memory_space<hbm>>) dst(%arg8 : memref<224x128xf32, #tpu.memory_space<vmem>>)
    %dma_start3A_125 = arith.constant 896 : i32
    %dma_start3A_126 = tpu.memref_slice %arg6[%dma_start3A_125] : memref<3136xi32, #tpu.memory_space<vmem>> -> memref<224xi32, #tpu.memory_space<vmem>>
    %dma_start3A_127 = arith.constant 0 : i32
    %dma_start3A_128 = arith.constant 0 : i32
    %dma_start3A_129 = tpu.memref_slice %arg7[%dma_start3A_127, %dma_start3A_128] : memref<1024x128xf32, #tpu.memory_space<vmem_shared>> -> memref<1024x128xf32, #tpu.memory_space<vmem_shared>>
    tpu.enqueue_indirect_dma source(%dma_start3A_129 : memref<1024x128xf32, #tpu.memory_space<vmem_shared>>) target(%arg8 : memref<224x128xf32, #tpu.memory_space<vmem>>) offsets(%dma_start3A_126 : memref<224xi32, #tpu.memory_space<vmem>>) semaphore(%arg16 : memref<!tpu.dma_semaphore, #tpu.memory_space<semaphore_mem>>) {add = true}
    %dma_wait3A_130 = arith.constant 0 : i32
    %dma_wait3A_131 = tpu.memref_slice %arg5[%add3A_116, %dma_wait3A_130] : memref<100000x128xf32, #tpu.memory_space<hbm>> -> memref<224x128xf32, #tpu.memory_space<hbm>>
    %dma_wait3A_132 = arith.constant 0 : i32
    %dma_wait3A_133 = tpu.memref_slice %arg5[%add3A_116, %dma_wait3A_132] : memref<100000x128xf32, #tpu.memory_space<hbm>> -> memref<224x128xf32, #tpu.memory_space<hbm>>
    tpu.wait_dma2 semaphore(%arg22 : memref<!tpu.dma_semaphore, #tpu.memory_space<semaphore_mem>>) src(%arg10 : memref<224x128xf32, #tpu.memory_space<vmem>>) dst(%dma_wait3A_133 : memref<224x128xf32, #tpu.memory_space<hbm>>)
    %add3A_134 = arith.constant 1344 : i32
    %add3A_135 = arith.addi %min3A_3, %add3A_134 : i32
    %dma_start3A_136 = arith.constant 0 : i32
    %dma_start3A_137 = tpu.memref_slice %arg2[%add3A_135, %dma_start3A_136] : memref<100000x128xf32, #tpu.memory_space<hbm>> -> memref<224x128xf32, #tpu.memory_space<hbm>>
    %dma_start3A_138 = arith.constant 0 : i32
    %dma_start3A_139 = tpu.memref_slice %arg2[%add3A_135, %dma_start3A_138] : memref<100000x128xf32, #tpu.memory_space<hbm>> -> memref<224x128xf32, #tpu.memory_space<hbm>>
    tpu.enqueue_dma source(%dma_start3A_139 : memref<224x128xf32, #tpu.memory_space<hbm>>) target(%arg10 : memref<224x128xf32, #tpu.memory_space<vmem>>) target_semaphore(%arg14 : memref<!tpu.dma_semaphore, #tpu.memory_space<semaphore_mem>>)
    %dma_wait3A_140 = arith.constant 672 : i32
    %dma_wait3A_141 = tpu.memref_slice %arg6[%dma_wait3A_140] : memref<3136xi32, #tpu.memory_space<vmem>> -> memref<224xi32, #tpu.memory_space<vmem>>
    %dma_wait3A_142 = arith.constant 0 : i32
    %dma_wait3A_143 = arith.constant 0 : i32
    %dma_wait3A_144 = tpu.memref_slice %arg7[%dma_wait3A_142, %dma_wait3A_143] : memref<1024x128xf32, #tpu.memory_space<vmem_shared>> -> memref<1024x128xf32, #tpu.memory_space<vmem_shared>>
    tpu.wait_indirect_dma semaphore(%arg19 : memref<!tpu.dma_semaphore, #tpu.memory_space<semaphore_mem>>) src(%dma_wait3A_144 : memref<1024x128xf32, #tpu.memory_space<vmem_shared>>) dst(%arg11 : memref<224x128xf32, #tpu.memory_space<vmem>>)
    %add3A_145 = arith.constant 672 : i32
    %add3A_146 = arith.addi %min3A_3, %add3A_145 : i32
    %dma_start3A_147 = arith.constant 0 : i32
    %dma_start3A_148 = tpu.memref_slice %arg5[%add3A_146, %dma_start3A_147] : memref<100000x128xf32, #tpu.memory_space<hbm>> -> memref<224x128xf32, #tpu.memory_space<hbm>>
    %dma_start3A_149 = arith.constant 0 : i32
    %dma_start3A_150 = tpu.memref_slice %arg5[%add3A_146, %dma_start3A_149] : memref<100000x128xf32, #tpu.memory_space<hbm>> -> memref<224x128xf32, #tpu.memory_space<hbm>>
    tpu.enqueue_dma source(%arg11 : memref<224x128xf32, #tpu.memory_space<vmem>>) target(%dma_start3A_150 : memref<224x128xf32, #tpu.memory_space<hbm>>) target_semaphore(%arg23 : memref<!tpu.dma_semaphore, #tpu.memory_space<semaphore_mem>>)
    %dma_wait3A_151 = arith.constant 0 : i32
    %dma_wait3A_152 = tpu.memref_slice %arg2[%add3A_105, %dma_wait3A_151] : memref<100000x128xf32, #tpu.memory_space<hbm>> -> memref<224x128xf32, #tpu.memory_space<hbm>>
    %dma_wait3A_153 = arith.constant 0 : i32
    %dma_wait3A_154 = tpu.memref_slice %arg2[%add3A_105, %dma_wait3A_153] : memref<100000x128xf32, #tpu.memory_space<hbm>> -> memref<224x128xf32, #tpu.memory_space<hbm>>
    tpu.wait_dma2 semaphore(%arg13 : memref<!tpu.dma_semaphore, #tpu.memory_space<semaphore_mem>>) src(%dma_wait3A_154 : memref<224x128xf32, #tpu.memory_space<hbm>>) dst(%arg9 : memref<224x128xf32, #tpu.memory_space<vmem>>)
    %dma_start3A_155 = arith.constant 1120 : i32
    %dma_start3A_156 = tpu.memref_slice %arg6[%dma_start3A_155] : memref<3136xi32, #tpu.memory_space<vmem>> -> memref<224xi32, #tpu.memory_space<vmem>>
    %dma_start3A_157 = arith.constant 0 : i32
    %dma_start3A_158 = arith.constant 0 : i32
    %dma_start3A_159 = tpu.memref_slice %arg7[%dma_start3A_157, %dma_start3A_158] : memref<1024x128xf32, #tpu.memory_space<vmem_shared>> -> memref<1024x128xf32, #tpu.memory_space<vmem_shared>>
    tpu.enqueue_indirect_dma source(%dma_start3A_159 : memref<1024x128xf32, #tpu.memory_space<vmem_shared>>) target(%arg9 : memref<224x128xf32, #tpu.memory_space<vmem>>) offsets(%dma_start3A_156 : memref<224xi32, #tpu.memory_space<vmem>>) semaphore(%arg17 : memref<!tpu.dma_semaphore, #tpu.memory_space<semaphore_mem>>) {add = true}
    %dma_wait3A_160 = arith.constant 0 : i32
    %dma_wait3A_161 = tpu.memref_slice %arg5[%add3A_146, %dma_wait3A_160] : memref<100000x128xf32, #tpu.memory_space<hbm>> -> memref<224x128xf32, #tpu.memory_space<hbm>>
    %dma_wait3A_162 = arith.constant 0 : i32
    %dma_wait3A_163 = tpu.memref_slice %arg5[%add3A_146, %dma_wait3A_162] : memref<100000x128xf32, #tpu.memory_space<hbm>> -> memref<224x128xf32, #tpu.memory_space<hbm>>
    tpu.wait_dma2 semaphore(%arg23 : memref<!tpu.dma_semaphore, #tpu.memory_space<semaphore_mem>>) src(%arg11 : memref<224x128xf32, #tpu.memory_space<vmem>>) dst(%dma_wait3A_163 : memref<224x128xf32, #tpu.memory_space<hbm>>)
    %add3A_164 = arith.constant 1568 : i32
    %add3A_165 = arith.addi %min3A_3, %add3A_164 : i32
    %dma_start3A_166 = arith.constant 0 : i32
    %dma_start3A_167 = tpu.memref_slice %arg2[%add3A_165, %dma_start3A_166] : memref<100000x128xf32, #tpu.memory_space<hbm>> -> memref<224x128xf32, #tpu.memory_space<hbm>>
    %dma_start3A_168 = arith.constant 0 : i32
    %dma_start3A_169 = tpu.memref_slice %arg2[%add3A_165, %dma_start3A_168] : memref<100000x128xf32, #tpu.memory_space<hbm>> -> memref<224x128xf32, #tpu.memory_space<hbm>>
    tpu.enqueue_dma source(%dma_start3A_169 : memref<224x128xf32, #tpu.memory_space<hbm>>) target(%arg11 : memref<224x128xf32, #tpu.memory_space<vmem>>) target_semaphore(%arg15 : memref<!tpu.dma_semaphore, #tpu.memory_space<semaphore_mem>>)
    %dma_wait3A_170 = arith.constant 896 : i32
    %dma_wait3A_171 = tpu.memref_slice %arg6[%dma_wait3A_170] : memref<3136xi32, #tpu.memory_space<vmem>> -> memref<224xi32, #tpu.memory_space<vmem>>
    %dma_wait3A_172 = arith.constant 0 : i32
    %dma_wait3A_173 = arith.constant 0 : i32
    %dma_wait3A_174 = tpu.memref_slice %arg7[%dma_wait3A_172, %dma_wait3A_173] : memref<1024x128xf32, #tpu.memory_space<vmem_shared>> -> memref<1024x128xf32, #tpu.memory_space<vmem_shared>>
    tpu.wait_indirect_dma semaphore(%arg16 : memref<!tpu.dma_semaphore, #tpu.memory_space<semaphore_mem>>) src(%dma_wait3A_174 : memref<1024x128xf32, #tpu.memory_space<vmem_shared>>) dst(%arg8 : memref<224x128xf32, #tpu.memory_space<vmem>>)
    %add3A_175 = arith.constant 896 : i32
    %add3A_176 = arith.addi %min3A_3, %add3A_175 : i32
    %dma_start3A_177 = arith.constant 0 : i32
    %dma_start3A_178 = tpu.memref_slice %arg5[%add3A_176, %dma_start3A_177] : memref<100000x128xf32, #tpu.memory_space<hbm>> -> memref<224x128xf32, #tpu.memory_space<hbm>>
    %dma_start3A_179 = arith.constant 0 : i32
    %dma_start3A_180 = tpu.memref_slice %arg5[%add3A_176, %dma_start3A_179] : memref<100000x128xf32, #tpu.memory_space<hbm>> -> memref<224x128xf32, #tpu.memory_space<hbm>>
    tpu.enqueue_dma source(%arg8 : memref<224x128xf32, #tpu.memory_space<vmem>>) target(%dma_start3A_180 : memref<224x128xf32, #tpu.memory_space<hbm>>) target_semaphore(%arg20 : memref<!tpu.dma_semaphore, #tpu.memory_space<semaphore_mem>>)
    %dma_wait3A_181 = arith.constant 0 : i32
    %dma_wait3A_182 = tpu.memref_slice %arg2[%add3A_135, %dma_wait3A_181] : memref<100000x128xf32, #tpu.memory_space<hbm>> -> memref<224x128xf32, #tpu.memory_space<hbm>>
    %dma_wait3A_183 = arith.constant 0 : i32
    %dma_wait3A_184 = tpu.memref_slice %arg2[%add3A_135, %dma_wait3A_183] : memref<100000x128xf32, #tpu.memory_space<hbm>> -> memref<224x128xf32, #tpu.memory_space<hbm>>
    tpu.wait_dma2 semaphore(%arg14 : memref<!tpu.dma_semaphore, #tpu.memory_space<semaphore_mem>>) src(%dma_wait3A_184 : memref<224x128xf32, #tpu.memory_space<hbm>>) dst(%arg10 : memref<224x128xf32, #tpu.memory_space<vmem>>)
    %dma_start3A_185 = arith.constant 1344 : i32
    %dma_start3A_186 = tpu.memref_slice %arg6[%dma_start3A_185] : memref<3136xi32, #tpu.memory_space<vmem>> -> memref<224xi32, #tpu.memory_space<vmem>>
    %dma_start3A_187 = arith.constant 0 : i32
    %dma_start3A_188 = arith.constant 0 : i32
    %dma_start3A_189 = tpu.memref_slice %arg7[%dma_start3A_187, %dma_start3A_188] : memref<1024x128xf32, #tpu.memory_space<vmem_shared>> -> memref<1024x128xf32, #tpu.memory_space<vmem_shared>>
    tpu.enqueue_indirect_dma source(%dma_start3A_189 : memref<1024x128xf32, #tpu.memory_space<vmem_shared>>) target(%arg10 : memref<224x128xf32, #tpu.memory_space<vmem>>) offsets(%dma_start3A_186 : memref<224xi32, #tpu.memory_space<vmem>>) semaphore(%arg18 : memref<!tpu.dma_semaphore, #tpu.memory_space<semaphore_mem>>) {add = true}
    %dma_wait3A_190 = arith.constant 0 : i32
    %dma_wait3A_191 = tpu.memref_slice %arg5[%add3A_176, %dma_wait3A_190] : memref<100000x128xf32, #tpu.memory_space<hbm>> -> memref<224x128xf32, #tpu.memory_space<hbm>>
    %dma_wait3A_192 = arith.constant 0 : i32
    %dma_wait3A_193 = tpu.memref_slice %arg5[%add3A_176, %dma_wait3A_192] : memref<100000x128xf32, #tpu.memory_space<hbm>> -> memref<224x128xf32, #tpu.memory_space<hbm>>
    tpu.wait_dma2 semaphore(%arg20 : memref<!tpu.dma_semaphore, #tpu.memory_space<semaphore_mem>>) src(%arg8 : memref<224x128xf32, #tpu.memory_space<vmem>>) dst(%dma_wait3A_193 : memref<224x128xf32, #tpu.memory_space<hbm>>)
    %add3A_194 = arith.constant 1792 : i32
    %add3A_195 = arith.addi %min3A_3, %add3A_194 : i32
    %dma_start3A_196 = arith.constant 0 : i32
    %dma_start3A_197 = tpu.memref_slice %arg2[%add3A_195, %dma_start3A_196] : memref<100000x128xf32, #tpu.memory_space<hbm>> -> memref<224x128xf32, #tpu.memory_space<hbm>>
    %dma_start3A_198 = arith.constant 0 : i32
    %dma_start3A_199 = tpu.memref_slice %arg2[%add3A_195, %dma_start3A_198] : memref<100000x128xf32, #tpu.memory_space<hbm>> -> memref<224x128xf32, #tpu.memory_space<hbm>>
    tpu.enqueue_dma source(%dma_start3A_199 : memref<224x128xf32, #tpu.memory_space<hbm>>) target(%arg8 : memref<224x128xf32, #tpu.memory_space<vmem>>) target_semaphore(%arg12 : memref<!tpu.dma_semaphore, #tpu.memory_space<semaphore_mem>>)
    %dma_wait3A_200 = arith.constant 1120 : i32
    %dma_wait3A_201 = tpu.memref_slice %arg6[%dma_wait3A_200] : memref<3136xi32, #tpu.memory_space<vmem>> -> memref<224xi32, #tpu.memory_space<vmem>>
    %dma_wait3A_202 = arith.constant 0 : i32
    %dma_wait3A_203 = arith.constant 0 : i32
    %dma_wait3A_204 = tpu.memref_slice %arg7[%dma_wait3A_202, %dma_wait3A_203] : memref<1024x128xf32, #tpu.memory_space<vmem_shared>> -> memref<1024x128xf32, #tpu.memory_space<vmem_shared>>
    tpu.wait_indirect_dma semaphore(%arg17 : memref<!tpu.dma_semaphore, #tpu.memory_space<semaphore_mem>>) src(%dma_wait3A_204 : memref<1024x128xf32, #tpu.memory_space<vmem_shared>>) dst(%arg9 : memref<224x128xf32, #tpu.memory_space<vmem>>)
    %add3A_205 = arith.constant 1120 : i32
    %add3A_206 = arith.addi %min3A_3, %add3A_205 : i32
    %dma_start3A_207 = arith.constant 0 : i32
    %dma_start3A_208 = tpu.memref_slice %arg5[%add3A_206, %dma_start3A_207] : memref<100000x128xf32, #tpu.memory_space<hbm>> -> memref<224x128xf32, #tpu.memory_space<hbm>>
    %dma_start3A_209 = arith.constant 0 : i32
    %dma_start3A_210 = tpu.memref_slice %arg5[%add3A_206, %dma_start3A_209] : memref<100000x128xf32, #tpu.memory_space<hbm>> -> memref<224x128xf32, #tpu.memory_space<hbm>>
    tpu.enqueue_dma source(%arg9 : memref<224x128xf32, #tpu.memory_space<vmem>>) target(%dma_start3A_210 : memref<224x128xf32, #tpu.memory_space<hbm>>) target_semaphore(%arg21 : memref<!tpu.dma_semaphore, #tpu.memory_space<semaphore_mem>>)
    %dma_wait3A_211 = arith.constant 0 : i32
    %dma_wait3A_212 = tpu.memref_slice %arg2[%add3A_165, %dma_wait3A_211] : memref<100000x128xf32, #tpu.memory_space<hbm>> -> memref<224x128xf32, #tpu.memory_space<hbm>>
    %dma_wait3A_213 = arith.constant 0 : i32
    %dma_wait3A_214 = tpu.memref_slice %arg2[%add3A_165, %dma_wait3A_213] : memref<100000x128xf32, #tpu.memory_space<hbm>> -> memref<224x128xf32, #tpu.memory_space<hbm>>
    tpu.wait_dma2 semaphore(%arg15 : memref<!tpu.dma_semaphore, #tpu.memory_space<semaphore_mem>>) src(%dma_wait3A_214 : memref<224x128xf32, #tpu.memory_space<hbm>>) dst(%arg11 : memref<224x128xf32, #tpu.memory_space<vmem>>)
    %dma_start3A_215 = arith.constant 1568 : i32
    %dma_start3A_216 = tpu.memref_slice %arg6[%dma_start3A_215] : memref<3136xi32, #tpu.memory_space<vmem>> -> memref<224xi32, #tpu.memory_space<vmem>>
    %dma_start3A_217 = arith.constant 0 : i32
    %dma_start3A_218 = arith.constant 0 : i32
    %dma_start3A_219 = tpu.memref_slice %arg7[%dma_start3A_217, %dma_start3A_218] : memref<1024x128xf32, #tpu.memory_space<vmem_shared>> -> memref<1024x128xf32, #tpu.memory_space<vmem_shared>>
    tpu.enqueue_indirect_dma source(%dma_start3A_219 : memref<1024x128xf32, #tpu.memory_space<vmem_shared>>) target(%arg11 : memref<224x128xf32, #tpu.memory_space<vmem>>) offsets(%dma_start3A_216 : memref<224xi32, #tpu.memory_space<vmem>>) semaphore(%arg19 : memref<!tpu.dma_semaphore, #tpu.memory_space<semaphore_mem>>) {add = true}
    %dma_wait3A_220 = arith.constant 0 : i32
    %dma_wait3A_221 = tpu.memref_slice %arg5[%add3A_206, %dma_wait3A_220] : memref<100000x128xf32, #tpu.memory_space<hbm>> -> memref<224x128xf32, #tpu.memory_space<hbm>>
    %dma_wait3A_222 = arith.constant 0 : i32
    %dma_wait3A_223 = tpu.memref_slice %arg5[%add3A_206, %dma_wait3A_222] : memref<100000x128xf32, #tpu.memory_space<hbm>> -> memref<224x128xf32, #tpu.memory_space<hbm>>
    tpu.wait_dma2 semaphore(%arg21 : memref<!tpu.dma_semaphore, #tpu.memory_space<semaphore_mem>>) src(%arg9 : memref<224x128xf32, #tpu.memory_space<vmem>>) dst(%dma_wait3A_223 : memref<224x128xf32, #tpu.memory_space<hbm>>)
    %add3A_224 = arith.constant 2016 : i32
    %add3A_225 = arith.addi %min3A_3, %add3A_224 : i32
    %dma_start3A_226 = arith.constant 0 : i32
    %dma_start3A_227 = tpu.memref_slice %arg2[%add3A_225, %dma_start3A_226] : memref<100000x128xf32, #tpu.memory_space<hbm>> -> memref<224x128xf32, #tpu.memory_space<hbm>>
    %dma_start3A_228 = arith.constant 0 : i32
    %dma_start3A_229 = tpu.memref_slice %arg2[%add3A_225, %dma_start3A_228] : memref<100000x128xf32, #tpu.memory_space<hbm>> -> memref<224x128xf32, #tpu.memory_space<hbm>>
    tpu.enqueue_dma source(%dma_start3A_229 : memref<224x128xf32, #tpu.memory_space<hbm>>) target(%arg9 : memref<224x128xf32, #tpu.memory_space<vmem>>) target_semaphore(%arg13 : memref<!tpu.dma_semaphore, #tpu.memory_space<semaphore_mem>>)
    %dma_wait3A_230 = arith.constant 1344 : i32
    %dma_wait3A_231 = tpu.memref_slice %arg6[%dma_wait3A_230] : memref<3136xi32, #tpu.memory_space<vmem>> -> memref<224xi32, #tpu.memory_space<vmem>>
    %dma_wait3A_232 = arith.constant 0 : i32
    %dma_wait3A_233 = arith.constant 0 : i32
    %dma_wait3A_234 = tpu.memref_slice %arg7[%dma_wait3A_232, %dma_wait3A_233] : memref<1024x128xf32, #tpu.memory_space<vmem_shared>> -> memref<1024x128xf32, #tpu.memory_space<vmem_shared>>
    tpu.wait_indirect_dma semaphore(%arg18 : memref<!tpu.dma_semaphore, #tpu.memory_space<semaphore_mem>>) src(%dma_wait3A_234 : memref<1024x128xf32, #tpu.memory_space<vmem_shared>>) dst(%arg10 : memref<224x128xf32, #tpu.memory_space<vmem>>)
    %add3A_235 = arith.constant 1344 : i32
    %add3A_236 = arith.addi %min3A_3, %add3A_235 : i32
    %dma_start3A_237 = arith.constant 0 : i32
    %dma_start3A_238 = tpu.memref_slice %arg5[%add3A_236, %dma_start3A_237] : memref<100000x128xf32, #tpu.memory_space<hbm>> -> memref<224x128xf32, #tpu.memory_space<hbm>>
    %dma_start3A_239 = arith.constant 0 : i32
    %dma_start3A_240 = tpu.memref_slice %arg5[%add3A_236, %dma_start3A_239] : memref<100000x128xf32, #tpu.memory_space<hbm>> -> memref<224x128xf32, #tpu.memory_space<hbm>>
    tpu.enqueue_dma source(%arg10 : memref<224x128xf32, #tpu.memory_space<vmem>>) target(%dma_start3A_240 : memref<224x128xf32, #tpu.memory_space<hbm>>) target_semaphore(%arg22 : memref<!tpu.dma_semaphore, #tpu.memory_space<semaphore_mem>>)
    %dma_wait3A_241 = arith.constant 0 : i32
    %dma_wait3A_242 = tpu.memref_slice %arg2[%add3A_195, %dma_wait3A_241] : memref<100000x128xf32, #tpu.memory_space<hbm>> -> memref<224x128xf32, #tpu.memory_space<hbm>>
    %dma_wait3A_243 = arith.constant 0 : i32
    %dma_wait3A_244 = tpu.memref_slice %arg2[%add3A_195, %dma_wait3A_243] : memref<100000x128xf32, #tpu.memory_space<hbm>> -> memref<224x128xf32, #tpu.memory_space<hbm>>
    tpu.wait_dma2 semaphore(%arg12 : memref<!tpu.dma_semaphore, #tpu.memory_space<semaphore_mem>>) src(%dma_wait3A_244 : memref<224x128xf32, #tpu.memory_space<hbm>>) dst(%arg8 : memref<224x128xf32, #tpu.memory_space<vmem>>)
    %dma_start3A_245 = arith.constant 1792 : i32
    %dma_start3A_246 = tpu.memref_slice %arg6[%dma_start3A_245] : memref<3136xi32, #tpu.memory_space<vmem>> -> memref<224xi32, #tpu.memory_space<vmem>>
    %dma_start3A_247 = arith.constant 0 : i32
    %dma_start3A_248 = arith.constant 0 : i32
    %dma_start3A_249 = tpu.memref_slice %arg7[%dma_start3A_247, %dma_start3A_248] : memref<1024x128xf32, #tpu.memory_space<vmem_shared>> -> memref<1024x128xf32, #tpu.memory_space<vmem_shared>>
    tpu.enqueue_indirect_dma source(%dma_start3A_249 : memref<1024x128xf32, #tpu.memory_space<vmem_shared>>) target(%arg8 : memref<224x128xf32, #tpu.memory_space<vmem>>) offsets(%dma_start3A_246 : memref<224xi32, #tpu.memory_space<vmem>>) semaphore(%arg16 : memref<!tpu.dma_semaphore, #tpu.memory_space<semaphore_mem>>) {add = true}
    %dma_wait3A_250 = arith.constant 0 : i32
    %dma_wait3A_251 = tpu.memref_slice %arg5[%add3A_236, %dma_wait3A_250] : memref<100000x128xf32, #tpu.memory_space<hbm>> -> memref<224x128xf32, #tpu.memory_space<hbm>>
    %dma_wait3A_252 = arith.constant 0 : i32
    %dma_wait3A_253 = tpu.memref_slice %arg5[%add3A_236, %dma_wait3A_252] : memref<100000x128xf32, #tpu.memory_space<hbm>> -> memref<224x128xf32, #tpu.memory_space<hbm>>
    tpu.wait_dma2 semaphore(%arg22 : memref<!tpu.dma_semaphore, #tpu.memory_space<semaphore_mem>>) src(%arg10 : memref<224x128xf32, #tpu.memory_space<vmem>>) dst(%dma_wait3A_253 : memref<224x128xf32, #tpu.memory_space<hbm>>)
    %add3A_254 = arith.constant 2240 : i32
    %add3A_255 = arith.addi %min3A_3, %add3A_254 : i32
    %dma_start3A_256 = arith.constant 0 : i32
    %dma_start3A_257 = tpu.memref_slice %arg2[%add3A_255, %dma_start3A_256] : memref<100000x128xf32, #tpu.memory_space<hbm>> -> memref<224x128xf32, #tpu.memory_space<hbm>>
    %dma_start3A_258 = arith.constant 0 : i32
    %dma_start3A_259 = tpu.memref_slice %arg2[%add3A_255, %dma_start3A_258] : memref<100000x128xf32, #tpu.memory_space<hbm>> -> memref<224x128xf32, #tpu.memory_space<hbm>>
    tpu.enqueue_dma source(%dma_start3A_259 : memref<224x128xf32, #tpu.memory_space<hbm>>) target(%arg10 : memref<224x128xf32, #tpu.memory_space<vmem>>) target_semaphore(%arg14 : memref<!tpu.dma_semaphore, #tpu.memory_space<semaphore_mem>>)
    %dma_wait3A_260 = arith.constant 1568 : i32
    %dma_wait3A_261 = tpu.memref_slice %arg6[%dma_wait3A_260] : memref<3136xi32, #tpu.memory_space<vmem>> -> memref<224xi32, #tpu.memory_space<vmem>>
    %dma_wait3A_262 = arith.constant 0 : i32
    %dma_wait3A_263 = arith.constant 0 : i32
    %dma_wait3A_264 = tpu.memref_slice %arg7[%dma_wait3A_262, %dma_wait3A_263] : memref<1024x128xf32, #tpu.memory_space<vmem_shared>> -> memref<1024x128xf32, #tpu.memory_space<vmem_shared>>
    tpu.wait_indirect_dma semaphore(%arg19 : memref<!tpu.dma_semaphore, #tpu.memory_space<semaphore_mem>>) src(%dma_wait3A_264 : memref<1024x128xf32, #tpu.memory_space<vmem_shared>>) dst(%arg11 : memref<224x128xf32, #tpu.memory_space<vmem>>)
    %add3A_265 = arith.constant 1568 : i32
    %add3A_266 = arith.addi %min3A_3, %add3A_265 : i32
    %dma_start3A_267 = arith.constant 0 : i32
    %dma_start3A_268 = tpu.memref_slice %arg5[%add3A_266, %dma_start3A_267] : memref<100000x128xf32, #tpu.memory_space<hbm>> -> memref<224x128xf32, #tpu.memory_space<hbm>>
    %dma_start3A_269 = arith.constant 0 : i32
    %dma_start3A_270 = tpu.memref_slice %arg5[%add3A_266, %dma_start3A_269] : memref<100000x128xf32, #tpu.memory_space<hbm>> -> memref<224x128xf32, #tpu.memory_space<hbm>>
    tpu.enqueue_dma source(%arg11 : memref<224x128xf32, #tpu.memory_space<vmem>>) target(%dma_start3A_270 : memref<224x128xf32, #tpu.memory_space<hbm>>) target_semaphore(%arg23 : memref<!tpu.dma_semaphore, #tpu.memory_space<semaphore_mem>>)
    %dma_wait3A_271 = arith.constant 0 : i32
    %dma_wait3A_272 = tpu.memref_slice %arg2[%add3A_225, %dma_wait3A_271] : memref<100000x128xf32, #tpu.memory_space<hbm>> -> memref<224x128xf32, #tpu.memory_space<hbm>>
    %dma_wait3A_273 = arith.constant 0 : i32
    %dma_wait3A_274 = tpu.memref_slice %arg2[%add3A_225, %dma_wait3A_273] : memref<100000x128xf32, #tpu.memory_space<hbm>> -> memref<224x128xf32, #tpu.memory_space<hbm>>
    tpu.wait_dma2 semaphore(%arg13 : memref<!tpu.dma_semaphore, #tpu.memory_space<semaphore_mem>>) src(%dma_wait3A_274 : memref<224x128xf32, #tpu.memory_space<hbm>>) dst(%arg9 : memref<224x128xf32, #tpu.memory_space<vmem>>)
    %dma_start3A_275 = arith.constant 2016 : i32
    %dma_start3A_276 = tpu.memref_slice %arg6[%dma_start3A_275] : memref<3136xi32, #tpu.memory_space<vmem>> -> memref<224xi32, #tpu.memory_space<vmem>>
    %dma_start3A_277 = arith.constant 0 : i32
    %dma_start3A_278 = arith.constant 0 : i32
    %dma_start3A_279 = tpu.memref_slice %arg7[%dma_start3A_277, %dma_start3A_278] : memref<1024x128xf32, #tpu.memory_space<vmem_shared>> -> memref<1024x128xf32, #tpu.memory_space<vmem_shared>>
    tpu.enqueue_indirect_dma source(%dma_start3A_279 : memref<1024x128xf32, #tpu.memory_space<vmem_shared>>) target(%arg9 : memref<224x128xf32, #tpu.memory_space<vmem>>) offsets(%dma_start3A_276 : memref<224xi32, #tpu.memory_space<vmem>>) semaphore(%arg17 : memref<!tpu.dma_semaphore, #tpu.memory_space<semaphore_mem>>) {add = true}
    %dma_wait3A_280 = arith.constant 0 : i32
    %dma_wait3A_281 = tpu.memref_slice %arg5[%add3A_266, %dma_wait3A_280] : memref<100000x128xf32, #tpu.memory_space<hbm>> -> memref<224x128xf32, #tpu.memory_space<hbm>>
    %dma_wait3A_282 = arith.constant 0 : i32
    %dma_wait3A_283 = tpu.memref_slice %arg5[%add3A_266, %dma_wait3A_282] : memref<100000x128xf32, #tpu.memory_space<hbm>> -> memref<224x128xf32, #tpu.memory_space<hbm>>
    tpu.wait_dma2 semaphore(%arg23 : memref<!tpu.dma_semaphore, #tpu.memory_space<semaphore_mem>>) src(%arg11 : memref<224x128xf32, #tpu.memory_space<vmem>>) dst(%dma_wait3A_283 : memref<224x128xf32, #tpu.memory_space<hbm>>)
    %add3A_284 = arith.constant 2464 : i32
    %add3A_285 = arith.addi %min3A_3, %add3A_284 : i32
    %dma_start3A_286 = arith.constant 0 : i32
    %dma_start3A_287 = tpu.memref_slice %arg2[%add3A_285, %dma_start3A_286] : memref<100000x128xf32, #tpu.memory_space<hbm>> -> memref<224x128xf32, #tpu.memory_space<hbm>>
    %dma_start3A_288 = arith.constant 0 : i32
    %dma_start3A_289 = tpu.memref_slice %arg2[%add3A_285, %dma_start3A_288] : memref<100000x128xf32, #tpu.memory_space<hbm>> -> memref<224x128xf32, #tpu.memory_space<hbm>>
    tpu.enqueue_dma source(%dma_start3A_289 : memref<224x128xf32, #tpu.memory_space<hbm>>) target(%arg11 : memref<224x128xf32, #tpu.memory_space<vmem>>) target_semaphore(%arg15 : memref<!tpu.dma_semaphore, #tpu.memory_space<semaphore_mem>>)
    %dma_wait3A_290 = arith.constant 1792 : i32
    %dma_wait3A_291 = tpu.memref_slice %arg6[%dma_wait3A_290] : memref<3136xi32, #tpu.memory_space<vmem>> -> memref<224xi32, #tpu.memory_space<vmem>>
    %dma_wait3A_292 = arith.constant 0 : i32
    %dma_wait3A_293 = arith.constant 0 : i32
    %dma_wait3A_294 = tpu.memref_slice %arg7[%dma_wait3A_292, %dma_wait3A_293] : memref<1024x128xf32, #tpu.memory_space<vmem_shared>> -> memref<1024x128xf32, #tpu.memory_space<vmem_shared>>
    tpu.wait_indirect_dma semaphore(%arg16 : memref<!tpu.dma_semaphore, #tpu.memory_space<semaphore_mem>>) src(%dma_wait3A_294 : memref<1024x128xf32, #tpu.memory_space<vmem_shared>>) dst(%arg8 : memref<224x128xf32, #tpu.memory_space<vmem>>)
    %add3A_295 = arith.constant 1792 : i32
    %add3A_296 = arith.addi %min3A_3, %add3A_295 : i32
    %dma_start3A_297 = arith.constant 0 : i32
    %dma_start3A_298 = tpu.memref_slice %arg5[%add3A_296, %dma_start3A_297] : memref<100000x128xf32, #tpu.memory_space<hbm>> -> memref<224x128xf32, #tpu.memory_space<hbm>>
    %dma_start3A_299 = arith.constant 0 : i32
    %dma_start3A_300 = tpu.memref_slice %arg5[%add3A_296, %dma_start3A_299] : memref<100000x128xf32, #tpu.memory_space<hbm>> -> memref<224x128xf32, #tpu.memory_space<hbm>>
    tpu.enqueue_dma source(%arg8 : memref<224x128xf32, #tpu.memory_space<vmem>>) target(%dma_start3A_300 : memref<224x128xf32, #tpu.memory_space<hbm>>) target_semaphore(%arg20 : memref<!tpu.dma_semaphore, #tpu.memory_space<semaphore_mem>>)
    %dma_wait3A_301 = arith.constant 0 : i32
    %dma_wait3A_302 = tpu.memref_slice %arg2[%add3A_255, %dma_wait3A_301] : memref<100000x128xf32, #tpu.memory_space<hbm>> -> memref<224x128xf32, #tpu.memory_space<hbm>>
    %dma_wait3A_303 = arith.constant 0 : i32
    %dma_wait3A_304 = tpu.memref_slice %arg2[%add3A_255, %dma_wait3A_303] : memref<100000x128xf32, #tpu.memory_space<hbm>> -> memref<224x128xf32, #tpu.memory_space<hbm>>
    tpu.wait_dma2 semaphore(%arg14 : memref<!tpu.dma_semaphore, #tpu.memory_space<semaphore_mem>>) src(%dma_wait3A_304 : memref<224x128xf32, #tpu.memory_space<hbm>>) dst(%arg10 : memref<224x128xf32, #tpu.memory_space<vmem>>)
    %dma_start3A_305 = arith.constant 2240 : i32
    %dma_start3A_306 = tpu.memref_slice %arg6[%dma_start3A_305] : memref<3136xi32, #tpu.memory_space<vmem>> -> memref<224xi32, #tpu.memory_space<vmem>>
    %dma_start3A_307 = arith.constant 0 : i32
    %dma_start3A_308 = arith.constant 0 : i32
    %dma_start3A_309 = tpu.memref_slice %arg7[%dma_start3A_307, %dma_start3A_308] : memref<1024x128xf32, #tpu.memory_space<vmem_shared>> -> memref<1024x128xf32, #tpu.memory_space<vmem_shared>>
    tpu.enqueue_indirect_dma source(%dma_start3A_309 : memref<1024x128xf32, #tpu.memory_space<vmem_shared>>) target(%arg10 : memref<224x128xf32, #tpu.memory_space<vmem>>) offsets(%dma_start3A_306 : memref<224xi32, #tpu.memory_space<vmem>>) semaphore(%arg18 : memref<!tpu.dma_semaphore, #tpu.memory_space<semaphore_mem>>) {add = true}
    %dma_wait3A_310 = arith.constant 0 : i32
    %dma_wait3A_311 = tpu.memref_slice %arg5[%add3A_296, %dma_wait3A_310] : memref<100000x128xf32, #tpu.memory_space<hbm>> -> memref<224x128xf32, #tpu.memory_space<hbm>>
    %dma_wait3A_312 = arith.constant 0 : i32
    %dma_wait3A_313 = tpu.memref_slice %arg5[%add3A_296, %dma_wait3A_312] : memref<100000x128xf32, #tpu.memory_space<hbm>> -> memref<224x128xf32, #tpu.memory_space<hbm>>
    tpu.wait_dma2 semaphore(%arg20 : memref<!tpu.dma_semaphore, #tpu.memory_space<semaphore_mem>>) src(%arg8 : memref<224x128xf32, #tpu.memory_space<vmem>>) dst(%dma_wait3A_313 : memref<224x128xf32, #tpu.memory_space<hbm>>)
    %add3A_314 = arith.constant 2688 : i32
    %add3A_315 = arith.addi %min3A_3, %add3A_314 : i32
    %dma_start3A_316 = arith.constant 0 : i32
    %dma_start3A_317 = tpu.memref_slice %arg2[%add3A_315, %dma_start3A_316] : memref<100000x128xf32, #tpu.memory_space<hbm>> -> memref<224x128xf32, #tpu.memory_space<hbm>>
    %dma_start3A_318 = arith.constant 0 : i32
    %dma_start3A_319 = tpu.memref_slice %arg2[%add3A_315, %dma_start3A_318] : memref<100000x128xf32, #tpu.memory_space<hbm>> -> memref<224x128xf32, #tpu.memory_space<hbm>>
    tpu.enqueue_dma source(%dma_start3A_319 : memref<224x128xf32, #tpu.memory_space<hbm>>) target(%arg8 : memref<224x128xf32, #tpu.memory_space<vmem>>) target_semaphore(%arg12 : memref<!tpu.dma_semaphore, #tpu.memory_space<semaphore_mem>>)
    %dma_wait3A_320 = arith.constant 2016 : i32
    %dma_wait3A_321 = tpu.memref_slice %arg6[%dma_wait3A_320] : memref<3136xi32, #tpu.memory_space<vmem>> -> memref<224xi32, #tpu.memory_space<vmem>>
    %dma_wait3A_322 = arith.constant 0 : i32
    %dma_wait3A_323 = arith.constant 0 : i32
    %dma_wait3A_324 = tpu.memref_slice %arg7[%dma_wait3A_322, %dma_wait3A_323] : memref<1024x128xf32, #tpu.memory_space<vmem_shared>> -> memref<1024x128xf32, #tpu.memory_space<vmem_shared>>
    tpu.wait_indirect_dma semaphore(%arg17 : memref<!tpu.dma_semaphore, #tpu.memory_space<semaphore_mem>>) src(%dma_wait3A_324 : memref<1024x128xf32, #tpu.memory_space<vmem_shared>>) dst(%arg9 : memref<224x128xf32, #tpu.memory_space<vmem>>)
    %add3A_325 = arith.constant 2016 : i32
    %add3A_326 = arith.addi %min3A_3, %add3A_325 : i32
    %dma_start3A_327 = arith.constant 0 : i32
    %dma_start3A_328 = tpu.memref_slice %arg5[%add3A_326, %dma_start3A_327] : memref<100000x128xf32, #tpu.memory_space<hbm>> -> memref<224x128xf32, #tpu.memory_space<hbm>>
    %dma_start3A_329 = arith.constant 0 : i32
    %dma_start3A_330 = tpu.memref_slice %arg5[%add3A_326, %dma_start3A_329] : memref<100000x128xf32, #tpu.memory_space<hbm>> -> memref<224x128xf32, #tpu.memory_space<hbm>>
    tpu.enqueue_dma source(%arg9 : memref<224x128xf32, #tpu.memory_space<vmem>>) target(%dma_start3A_330 : memref<224x128xf32, #tpu.memory_space<hbm>>) target_semaphore(%arg21 : memref<!tpu.dma_semaphore, #tpu.memory_space<semaphore_mem>>)
    %dma_wait3A_331 = arith.constant 0 : i32
    %dma_wait3A_332 = tpu.memref_slice %arg2[%add3A_285, %dma_wait3A_331] : memref<100000x128xf32, #tpu.memory_space<hbm>> -> memref<224x128xf32, #tpu.memory_space<hbm>>
    %dma_wait3A_333 = arith.constant 0 : i32
    %dma_wait3A_334 = tpu.memref_slice %arg2[%add3A_285, %dma_wait3A_333] : memref<100000x128xf32, #tpu.memory_space<hbm>> -> memref<224x128xf32, #tpu.memory_space<hbm>>
    tpu.wait_dma2 semaphore(%arg15 : memref<!tpu.dma_semaphore, #tpu.memory_space<semaphore_mem>>) src(%dma_wait3A_334 : memref<224x128xf32, #tpu.memory_space<hbm>>) dst(%arg11 : memref<224x128xf32, #tpu.memory_space<vmem>>)
    %dma_start3A_335 = arith.constant 2464 : i32
    %dma_start3A_336 = tpu.memref_slice %arg6[%dma_start3A_335] : memref<3136xi32, #tpu.memory_space<vmem>> -> memref<224xi32, #tpu.memory_space<vmem>>
    %dma_start3A_337 = arith.constant 0 : i32
    %dma_start3A_338 = arith.constant 0 : i32
    %dma_start3A_339 = tpu.memref_slice %arg7[%dma_start3A_337, %dma_start3A_338] : memref<1024x128xf32, #tpu.memory_space<vmem_shared>> -> memref<1024x128xf32, #tpu.memory_space<vmem_shared>>
    tpu.enqueue_indirect_dma source(%dma_start3A_339 : memref<1024x128xf32, #tpu.memory_space<vmem_shared>>) target(%arg11 : memref<224x128xf32, #tpu.memory_space<vmem>>) offsets(%dma_start3A_336 : memref<224xi32, #tpu.memory_space<vmem>>) semaphore(%arg19 : memref<!tpu.dma_semaphore, #tpu.memory_space<semaphore_mem>>) {add = true}
    %dma_wait3A_340 = arith.constant 0 : i32
    %dma_wait3A_341 = tpu.memref_slice %arg5[%add3A_326, %dma_wait3A_340] : memref<100000x128xf32, #tpu.memory_space<hbm>> -> memref<224x128xf32, #tpu.memory_space<hbm>>
    %dma_wait3A_342 = arith.constant 0 : i32
    %dma_wait3A_343 = tpu.memref_slice %arg5[%add3A_326, %dma_wait3A_342] : memref<100000x128xf32, #tpu.memory_space<hbm>> -> memref<224x128xf32, #tpu.memory_space<hbm>>
    tpu.wait_dma2 semaphore(%arg21 : memref<!tpu.dma_semaphore, #tpu.memory_space<semaphore_mem>>) src(%arg9 : memref<224x128xf32, #tpu.memory_space<vmem>>) dst(%dma_wait3A_343 : memref<224x128xf32, #tpu.memory_space<hbm>>)
    %add3A_344 = arith.constant 2912 : i32
    %add3A_345 = arith.addi %min3A_3, %add3A_344 : i32
    %dma_start3A_346 = arith.constant 0 : i32
    %dma_start3A_347 = tpu.memref_slice %arg2[%add3A_345, %dma_start3A_346] : memref<100000x128xf32, #tpu.memory_space<hbm>> -> memref<224x128xf32, #tpu.memory_space<hbm>>
    %dma_start3A_348 = arith.constant 0 : i32
    %dma_start3A_349 = tpu.memref_slice %arg2[%add3A_345, %dma_start3A_348] : memref<100000x128xf32, #tpu.memory_space<hbm>> -> memref<224x128xf32, #tpu.memory_space<hbm>>
    tpu.enqueue_dma source(%dma_start3A_349 : memref<224x128xf32, #tpu.memory_space<hbm>>) target(%arg9 : memref<224x128xf32, #tpu.memory_space<vmem>>) target_semaphore(%arg13 : memref<!tpu.dma_semaphore, #tpu.memory_space<semaphore_mem>>)
    %dma_wait3A_350 = arith.constant 2240 : i32
    %dma_wait3A_351 = tpu.memref_slice %arg6[%dma_wait3A_350] : memref<3136xi32, #tpu.memory_space<vmem>> -> memref<224xi32, #tpu.memory_space<vmem>>
    %dma_wait3A_352 = arith.constant 0 : i32
    %dma_wait3A_353 = arith.constant 0 : i32
    %dma_wait3A_354 = tpu.memref_slice %arg7[%dma_wait3A_352, %dma_wait3A_353] : memref<1024x128xf32, #tpu.memory_space<vmem_shared>> -> memref<1024x128xf32, #tpu.memory_space<vmem_shared>>
    tpu.wait_indirect_dma semaphore(%arg18 : memref<!tpu.dma_semaphore, #tpu.memory_space<semaphore_mem>>) src(%dma_wait3A_354 : memref<1024x128xf32, #tpu.memory_space<vmem_shared>>) dst(%arg10 : memref<224x128xf32, #tpu.memory_space<vmem>>)
    %add3A_355 = arith.constant 2240 : i32
    %add3A_356 = arith.addi %min3A_3, %add3A_355 : i32
    %dma_start3A_357 = arith.constant 0 : i32
    %dma_start3A_358 = tpu.memref_slice %arg5[%add3A_356, %dma_start3A_357] : memref<100000x128xf32, #tpu.memory_space<hbm>> -> memref<224x128xf32, #tpu.memory_space<hbm>>
    %dma_start3A_359 = arith.constant 0 : i32
    %dma_start3A_360 = tpu.memref_slice %arg5[%add3A_356, %dma_start3A_359] : memref<100000x128xf32, #tpu.memory_space<hbm>> -> memref<224x128xf32, #tpu.memory_space<hbm>>
    tpu.enqueue_dma source(%arg10 : memref<224x128xf32, #tpu.memory_space<vmem>>) target(%dma_start3A_360 : memref<224x128xf32, #tpu.memory_space<hbm>>) target_semaphore(%arg22 : memref<!tpu.dma_semaphore, #tpu.memory_space<semaphore_mem>>)
    %dma_wait3A_361 = arith.constant 0 : i32
    %dma_wait3A_362 = tpu.memref_slice %arg2[%add3A_315, %dma_wait3A_361] : memref<100000x128xf32, #tpu.memory_space<hbm>> -> memref<224x128xf32, #tpu.memory_space<hbm>>
    %dma_wait3A_363 = arith.constant 0 : i32
    %dma_wait3A_364 = tpu.memref_slice %arg2[%add3A_315, %dma_wait3A_363] : memref<100000x128xf32, #tpu.memory_space<hbm>> -> memref<224x128xf32, #tpu.memory_space<hbm>>
    tpu.wait_dma2 semaphore(%arg12 : memref<!tpu.dma_semaphore, #tpu.memory_space<semaphore_mem>>) src(%dma_wait3A_364 : memref<224x128xf32, #tpu.memory_space<hbm>>) dst(%arg8 : memref<224x128xf32, #tpu.memory_space<vmem>>)
    %dma_start3A_365 = arith.constant 2688 : i32
    %dma_start3A_366 = tpu.memref_slice %arg6[%dma_start3A_365] : memref<3136xi32, #tpu.memory_space<vmem>> -> memref<224xi32, #tpu.memory_space<vmem>>
    %dma_start3A_367 = arith.constant 0 : i32
    %dma_start3A_368 = arith.constant 0 : i32
    %dma_start3A_369 = tpu.memref_slice %arg7[%dma_start3A_367, %dma_start3A_368] : memref<1024x128xf32, #tpu.memory_space<vmem_shared>> -> memref<1024x128xf32, #tpu.memory_space<vmem_shared>>
    tpu.enqueue_indirect_dma source(%dma_start3A_369 : memref<1024x128xf32, #tpu.memory_space<vmem_shared>>) target(%arg8 : memref<224x128xf32, #tpu.memory_space<vmem>>) offsets(%dma_start3A_366 : memref<224xi32, #tpu.memory_space<vmem>>) semaphore(%arg16 : memref<!tpu.dma_semaphore, #tpu.memory_space<semaphore_mem>>) {add = true}
    %dma_wait3A_370 = arith.constant 2464 : i32
    %dma_wait3A_371 = tpu.memref_slice %arg6[%dma_wait3A_370] : memref<3136xi32, #tpu.memory_space<vmem>> -> memref<224xi32, #tpu.memory_space<vmem>>
    %dma_wait3A_372 = arith.constant 0 : i32
    %dma_wait3A_373 = arith.constant 0 : i32
    %dma_wait3A_374 = tpu.memref_slice %arg7[%dma_wait3A_372, %dma_wait3A_373] : memref<1024x128xf32, #tpu.memory_space<vmem_shared>> -> memref<1024x128xf32, #tpu.memory_space<vmem_shared>>
    tpu.wait_indirect_dma semaphore(%arg19 : memref<!tpu.dma_semaphore, #tpu.memory_space<semaphore_mem>>) src(%dma_wait3A_374 : memref<1024x128xf32, #tpu.memory_space<vmem_shared>>) dst(%arg11 : memref<224x128xf32, #tpu.memory_space<vmem>>)
    %add3A_375 = arith.constant 2464 : i32
    %add3A_376 = arith.addi %min3A_3, %add3A_375 : i32
    %dma_start3A_377 = arith.constant 0 : i32
    %dma_start3A_378 = tpu.memref_slice %arg5[%add3A_376, %dma_start3A_377] : memref<100000x128xf32, #tpu.memory_space<hbm>> -> memref<224x128xf32, #tpu.memory_space<hbm>>
    %dma_start3A_379 = arith.constant 0 : i32
    %dma_start3A_380 = tpu.memref_slice %arg5[%add3A_376, %dma_start3A_379] : memref<100000x128xf32, #tpu.memory_space<hbm>> -> memref<224x128xf32, #tpu.memory_space<hbm>>
    tpu.enqueue_dma source(%arg11 : memref<224x128xf32, #tpu.memory_space<vmem>>) target(%dma_start3A_380 : memref<224x128xf32, #tpu.memory_space<hbm>>) target_semaphore(%arg23 : memref<!tpu.dma_semaphore, #tpu.memory_space<semaphore_mem>>)
    %dma_wait3A_381 = arith.constant 0 : i32
    %dma_wait3A_382 = tpu.memref_slice %arg2[%add3A_345, %dma_wait3A_381] : memref<100000x128xf32, #tpu.memory_space<hbm>> -> memref<224x128xf32, #tpu.memory_space<hbm>>
    %dma_wait3A_383 = arith.constant 0 : i32
    %dma_wait3A_384 = tpu.memref_slice %arg2[%add3A_345, %dma_wait3A_383] : memref<100000x128xf32, #tpu.memory_space<hbm>> -> memref<224x128xf32, #tpu.memory_space<hbm>>
    tpu.wait_dma2 semaphore(%arg13 : memref<!tpu.dma_semaphore, #tpu.memory_space<semaphore_mem>>) src(%dma_wait3A_384 : memref<224x128xf32, #tpu.memory_space<hbm>>) dst(%arg9 : memref<224x128xf32, #tpu.memory_space<vmem>>)
    %dma_start3A_385 = arith.constant 2912 : i32
    %dma_start3A_386 = tpu.memref_slice %arg6[%dma_start3A_385] : memref<3136xi32, #tpu.memory_space<vmem>> -> memref<224xi32, #tpu.memory_space<vmem>>
    %dma_start3A_387 = arith.constant 0 : i32
    %dma_start3A_388 = arith.constant 0 : i32
    %dma_start3A_389 = tpu.memref_slice %arg7[%dma_start3A_387, %dma_start3A_388] : memref<1024x128xf32, #tpu.memory_space<vmem_shared>> -> memref<1024x128xf32, #tpu.memory_space<vmem_shared>>
    tpu.enqueue_indirect_dma source(%dma_start3A_389 : memref<1024x128xf32, #tpu.memory_space<vmem_shared>>) target(%arg9 : memref<224x128xf32, #tpu.memory_space<vmem>>) offsets(%dma_start3A_386 : memref<224xi32, #tpu.memory_space<vmem>>) semaphore(%arg17 : memref<!tpu.dma_semaphore, #tpu.memory_space<semaphore_mem>>) {add = true}
    %dma_wait3A_390 = arith.constant 2688 : i32
    %dma_wait3A_391 = tpu.memref_slice %arg6[%dma_wait3A_390] : memref<3136xi32, #tpu.memory_space<vmem>> -> memref<224xi32, #tpu.memory_space<vmem>>
    %dma_wait3A_392 = arith.constant 0 : i32
    %dma_wait3A_393 = arith.constant 0 : i32
    %dma_wait3A_394 = tpu.memref_slice %arg7[%dma_wait3A_392, %dma_wait3A_393] : memref<1024x128xf32, #tpu.memory_space<vmem_shared>> -> memref<1024x128xf32, #tpu.memory_space<vmem_shared>>
    tpu.wait_indirect_dma semaphore(%arg16 : memref<!tpu.dma_semaphore, #tpu.memory_space<semaphore_mem>>) src(%dma_wait3A_394 : memref<1024x128xf32, #tpu.memory_space<vmem_shared>>) dst(%arg8 : memref<224x128xf32, #tpu.memory_space<vmem>>)
    %add3A_395 = arith.constant 2688 : i32
    %add3A_396 = arith.addi %min3A_3, %add3A_395 : i32
    %dma_start3A_397 = arith.constant 0 : i32
    %dma_start3A_398 = tpu.memref_slice %arg5[%add3A_396, %dma_start3A_397] : memref<100000x128xf32, #tpu.memory_space<hbm>> -> memref<224x128xf32, #tpu.memory_space<hbm>>
    %dma_start3A_399 = arith.constant 0 : i32
    %dma_start3A_400 = tpu.memref_slice %arg5[%add3A_396, %dma_start3A_399] : memref<100000x128xf32, #tpu.memory_space<hbm>> -> memref<224x128xf32, #tpu.memory_space<hbm>>
    tpu.enqueue_dma source(%arg8 : memref<224x128xf32, #tpu.memory_space<vmem>>) target(%dma_start3A_400 : memref<224x128xf32, #tpu.memory_space<hbm>>) target_semaphore(%arg20 : memref<!tpu.dma_semaphore, #tpu.memory_space<semaphore_mem>>)
    %dma_wait3A_401 = arith.constant 2912 : i32
    %dma_wait3A_402 = tpu.memref_slice %arg6[%dma_wait3A_401] : memref<3136xi32, #tpu.memory_space<vmem>> -> memref<224xi32, #tpu.memory_space<vmem>>
    %dma_wait3A_403 = arith.constant 0 : i32
    %dma_wait3A_404 = arith.constant 0 : i32
    %dma_wait3A_405 = tpu.memref_slice %arg7[%dma_wait3A_403, %dma_wait3A_404] : memref<1024x128xf32, #tpu.memory_space<vmem_shared>> -> memref<1024x128xf32, #tpu.memory_space<vmem_shared>>
    tpu.wait_indirect_dma semaphore(%arg17 : memref<!tpu.dma_semaphore, #tpu.memory_space<semaphore_mem>>) src(%dma_wait3A_405 : memref<1024x128xf32, #tpu.memory_space<vmem_shared>>) dst(%arg9 : memref<224x128xf32, #tpu.memory_space<vmem>>)
    %add3A_406 = arith.constant 2912 : i32
    %add3A_407 = arith.addi %min3A_3, %add3A_406 : i32
    %dma_start3A_408 = arith.constant 0 : i32
    %dma_start3A_409 = tpu.memref_slice %arg5[%add3A_407, %dma_start3A_408] : memref<100000x128xf32, #tpu.memory_space<hbm>> -> memref<224x128xf32, #tpu.memory_space<hbm>>
    %dma_start3A_410 = arith.constant 0 : i32
    %dma_start3A_411 = tpu.memref_slice %arg5[%add3A_407, %dma_start3A_410] : memref<100000x128xf32, #tpu.memory_space<hbm>> -> memref<224x128xf32, #tpu.memory_space<hbm>>
    tpu.enqueue_dma source(%arg9 : memref<224x128xf32, #tpu.memory_space<vmem>>) target(%dma_start3A_411 : memref<224x128xf32, #tpu.memory_space<hbm>>) target_semaphore(%arg21 : memref<!tpu.dma_semaphore, #tpu.memory_space<semaphore_mem>>)
    %dma_wait3A_412 = arith.constant 0 : i32
    %dma_wait3A_413 = tpu.memref_slice %arg5[%add3A_356, %dma_wait3A_412] : memref<100000x128xf32, #tpu.memory_space<hbm>> -> memref<224x128xf32, #tpu.memory_space<hbm>>
    %dma_wait3A_414 = arith.constant 0 : i32
    %dma_wait3A_415 = tpu.memref_slice %arg5[%add3A_356, %dma_wait3A_414] : memref<100000x128xf32, #tpu.memory_space<hbm>> -> memref<224x128xf32, #tpu.memory_space<hbm>>
    tpu.wait_dma2 semaphore(%arg22 : memref<!tpu.dma_semaphore, #tpu.memory_space<semaphore_mem>>) src(%arg10 : memref<224x128xf32, #tpu.memory_space<vmem>>) dst(%dma_wait3A_415 : memref<224x128xf32, #tpu.memory_space<hbm>>)
    %dma_wait3A_416 = arith.constant 0 : i32
    %dma_wait3A_417 = tpu.memref_slice %arg5[%add3A_376, %dma_wait3A_416] : memref<100000x128xf32, #tpu.memory_space<hbm>> -> memref<224x128xf32, #tpu.memory_space<hbm>>
    %dma_wait3A_418 = arith.constant 0 : i32
    %dma_wait3A_419 = tpu.memref_slice %arg5[%add3A_376, %dma_wait3A_418] : memref<100000x128xf32, #tpu.memory_space<hbm>> -> memref<224x128xf32, #tpu.memory_space<hbm>>
    tpu.wait_dma2 semaphore(%arg23 : memref<!tpu.dma_semaphore, #tpu.memory_space<semaphore_mem>>) src(%arg11 : memref<224x128xf32, #tpu.memory_space<vmem>>) dst(%dma_wait3A_419 : memref<224x128xf32, #tpu.memory_space<hbm>>)
    %dma_wait3A_420 = arith.constant 0 : i32
    %dma_wait3A_421 = tpu.memref_slice %arg5[%add3A_396, %dma_wait3A_420] : memref<100000x128xf32, #tpu.memory_space<hbm>> -> memref<224x128xf32, #tpu.memory_space<hbm>>
    %dma_wait3A_422 = arith.constant 0 : i32
    %dma_wait3A_423 = tpu.memref_slice %arg5[%add3A_396, %dma_wait3A_422] : memref<100000x128xf32, #tpu.memory_space<hbm>> -> memref<224x128xf32, #tpu.memory_space<hbm>>
    tpu.wait_dma2 semaphore(%arg20 : memref<!tpu.dma_semaphore, #tpu.memory_space<semaphore_mem>>) src(%arg8 : memref<224x128xf32, #tpu.memory_space<vmem>>) dst(%dma_wait3A_423 : memref<224x128xf32, #tpu.memory_space<hbm>>)
    %dma_wait3A_424 = arith.constant 0 : i32
    %dma_wait3A_425 = tpu.memref_slice %arg5[%add3A_407, %dma_wait3A_424] : memref<100000x128xf32, #tpu.memory_space<hbm>> -> memref<224x128xf32, #tpu.memory_space<hbm>>
    %dma_wait3A_426 = arith.constant 0 : i32
    %dma_wait3A_427 = tpu.memref_slice %arg5[%add3A_407, %dma_wait3A_426] : memref<100000x128xf32, #tpu.memory_space<hbm>> -> memref<224x128xf32, #tpu.memory_space<hbm>>
    tpu.wait_dma2 semaphore(%arg21 : memref<!tpu.dma_semaphore, #tpu.memory_space<semaphore_mem>>) src(%arg9 : memref<224x128xf32, #tpu.memory_space<vmem>>) dst(%dma_wait3A_427 : memref<224x128xf32, #tpu.memory_space<hbm>>)
    return
  }
}

</mosaic_0001>

<sc_bundles>
// kernel: _run.3.cloned.1.call-start
scs
__scs_entry_jumppad:
0x0: {  	(pc) =	sbr.rel $0x88, $3  }
0x1: {  	(tag) =	ssettag $0x0;
	lr =	simm.s32 $0x1  }
0x2: {  	[smem:$0x3F9E] =	sst lr;
	_ =	strace $0xD0000000  }
0x3: {  	_ = 	snop  }
0x4: {  	_ = 	snop  }
0x5: {  	_ = 	snop  }
0x6: {  	_ = 	snop  }
0x7: {  	_ = 	snop  }
__scs_overlays_trampoline_lowered:
0x8: {  	[smem:$0x3FAD] =	sst s0  }
0x9: {  	[smem:$0x3FAE] =	sst s1  }
0xa: {  	[smem:$0x3FAF] =	sst s2  }
0xb: {  	[smem:$0x3FB0] =	sst s3  }
0xc: {  	[smem:$0x3FB1] =	sst s4  }
0xd: {  	[smem:$0x3FB2] =	sst s5  }
0xe: {  	[smem:$0x3FB3] =	sst s6  }
0xf: {  	[smem:$0x3FB4] =	sst s7  }
0x10: {  	[smem:$0x3FB5] =	sst s8  }
0x11: {  	[smem:$0x3FB6] =	sst s9;
	s0 =	simm.s32 @!p0 $0x0  }
0x12: {  	s1 =	sld [smem:$0x3F9C];
	s0 =	simm.s32 @p0 $0x1  }
0x13: {  	[smem:$0x3FB7] =	sst s0;
	s0 =	simm.s32 @!p1 $0x0  }
0x14: {  	s2 =	sld [smem:$0x3F9B];
	s0 =	simm.s32 @p1 $0x1  }
0x15: {  	[smem:$0x3FB8] =	sst s0;
	s0 =	simm.s32 @!p2 $0x0  }
0x16: {  	s3 =	sld [smem:$0x3FDB];
	s0 =	simm.s32 @p2 $0x1  }
0x17: {  	s4 =	simm.s32 $0x1BF5;
	[smem:$0x3FBA] =	sst s0  }
0x18: {  	s0 =	sld [smem:$0x3F9D];
	_ =	swait.ge [sflag:s4], $0x0  }
0x19: {  	s7 =	sld [smem:$0x3F9E]  }
0x1a: {  	s8 =	sadd.s32 $0xFFFFE003, lr  }
0x1b: {  	s9 =	sadd.s32 $0xFFFFFEF7, lr;
	s5 =	simm.s32 $0xFFFFFFFF;
	p2 =	slt.u32 s8, $0xFFFFF086  }
0x1c: {  	p1 =	slt.u32 s9, $0xF7A;
	s5 =	simm.s32 @!p2 $0x0  }
0x1d: {  	s5 =	simm.s32 @p1 $0x1;
	p0 =	seq.s32 s7, s2  }
0x1e: {  	s7 =	smul.u32 @!p0 $0xF7A, s2;
	p2 =	seq.s32 @!p0 s5, $0x0  }
0x1f: {  	s9 =	smul.u32 $0xF7A, s1;
	s8 =	simm.s32 @!p0 $0x1BF5;
	p2 =	por !p2, p0  }
0x20: {  	[sflag:s8] =	ssyncset.s32 @!p0 $0xFFFFF086;
	s6 =	sadd.s32 @!p0 s3, s7;
	s7 =	simm.s32 @!p0 $0x108  }
0x21: {  	s3 =	sadd.s32 s3, s9;
	s6 =	sadd.s32 @!p0 $0x88, s6;
	s7 =	simm.s32 @p2 $0x1082  }
0x22: {  	[simem:s7], [sflag:s8] =	dma.local @!p0 [hbm:s6], $0xF7A  }
0x23: {  	s9 =	sor.u32 $0xD0000000, s2;
	s6 =	simm.s32 $0x108;
	_ =	swait.ge @!p0 [sflag:s8], $0x0  }
0x24: {  	s3 =	sadd.s32 $0x88, s3;
	s6 =	simm.s32 @!p1 $0x1082;
	[sflag:s4] =	ssyncset.s32 $0xFFFFF086  }
0x25: {  	[simem:s6], [sflag:s4] =	dma.local [hbm:s3], $0xF7A  }
0x26: {  	[smem:$0x3F9E] =	sst s1;
	(tag) =	ssettag s2;
	_ =	strace s9  }
0x27: {  	s1 =	sld [smem:$0x3FAE]  }
0x28: {  	s2 =	sld [smem:$0x3FAF]  }
0x29: {  	s4 =	sld [smem:$0x3FB1]  }
0x2a: {  	p0 =	seq.s32 s5, $0x0;
	s5 =	sld [smem:$0x3FB2]  }
0x2b: {  	s6 =	sld [smem:$0x3FB3]  }
0x2c: {  	s7 =	sld [smem:$0x3FB4]  }
0x2d: {  	s3 =	simm.s32 $0x108;
	s8 =	sld [smem:$0x3FB5]  }
0x2e: {  	s3 =	simm.s32 @!p0 $0x1082;
	s9 =	sld [smem:$0x3FB6]  }
0x2f: {  	lr =	sadd.s32 s0, s3;
	s0 =	sld [smem:$0x3FAD]  }
0x30: {  	s3 =	sld [smem:$0x3FB0]  }
0x31: {  	[smem:$0x3FB9] =	sst s10  }
0x32: {  	s10 =	sld [smem:$0x3FB7];
	_ =	sdelay $0x3  }
0x33: {  	p0 =	seq.s32 s10, $0x1;
	s10 =	sld [smem:$0x3FB9];
	_ =	sdelay $0x3  }
0x34: {  	[smem:$0x3FB9] =	sst s10  }
0x35: {  	s10 =	sld [smem:$0x3FB8];
	_ =	sdelay $0x3  }
0x36: {  	p1 =	seq.s32 s10, $0x1;
	s10 =	sld [smem:$0x3FB9];
	_ =	sdelay $0x3  }
0x37: {  	[smem:$0x3FB9] =	sst s10  }
0x38: {  	s10 =	sld [smem:$0x3FBA]  }
0x39: {  	_ = 	snop;
	(pc) =	sbr.ind lr, $3  }
0x3a: {  	_ = 	snop  }
0x3b: {  	_ = 	snop  }
0x3c: {  	p2 =	seq.s32 s10, $0x1;
	s10 =	sld [smem:$0x3FB9]  }
0x3d: {  	_ =	shalt  }
0x3e: {  	_ =	shalt  }
0x3f: {  	_ =	shalt  }
0x40: {  	_ =	shalt  }
0x41: {  	_ =	shalt  }
0x42: {  	_ =	shalt  }
0x43: {  	_ =	shalt  }
0x44: {  	_ =	shalt  }
0x45: {  	_ =	shalt  }
0x46: {  	_ =	shalt  }
0x47: {  	_ =	shalt  }
0x48: {  	_ =	shalt  }
0x49: {  	_ =	shalt  }
0x4a: {  	_ =	shalt  }
0x4b: {  	_ =	shalt  }
0x4c: {  	_ =	shalt  }
0x4d: {  	_ =	shalt  }
0x4e: {  	_ =	shalt  }
0x4f: {  	_ =	shalt  }
0x50: {  	_ =	shalt  }
0x51: {  	_ =	shalt  }
0x52: {  	_ =	shalt  }
0x53: {  	_ =	shalt  }
0x54: {  	_ =	shalt  }
0x55: {  	_ =	shalt  }
0x56: {  	_ =	shalt  }
0x57: {  	_ =	shalt  }
0x58: {  	_ =	shalt  }
0x59: {  	_ =	shalt  }
0x5a: {  	_ =	shalt  }
0x5b: {  	_ =	shalt  }
0x5c: {  	_ =	shalt  }
0x5d: {  	_ =	shalt  }
0x5e: {  	_ =	shalt  }
0x5f: {  	_ =	shalt  }
0x60: {  	_ =	shalt  }
0x61: {  	_ =	shalt  }
0x62: {  	_ =	shalt  }
0x63: {  	_ =	shalt  }
0x64: {  	_ =	shalt  }
0x65: {  	_ =	shalt  }
0x66: {  	_ =	shalt  }
0x67: {  	_ =	shalt  }
0x68: {  	_ =	shalt  }
0x69: {  	_ =	shalt  }
0x6a: {  	_ =	shalt  }
0x6b: {  	_ =	shalt  }
0x6c: {  	_ =	shalt  }
0x6d: {  	_ =	shalt  }
0x6e: {  	_ =	shalt  }
0x6f: {  	_ =	shalt  }
0x70: {  	_ =	shalt  }
0x71: {  	_ =	shalt  }
0x72: {  	_ =	shalt  }
0x73: {  	_ =	shalt  }
0x74: {  	_ =	shalt  }
0x75: {  	_ =	shalt  }
0x76: {  	_ =	shalt  }
0x77: {  	_ =	shalt  }
0x78: {  	_ =	shalt  }
0x79: {  	_ =	shalt  }
0x7a: {  	_ =	shalt  }
0x7b: {  	_ =	shalt  }
0x7c: {  	_ =	shalt  }
0x7d: {  	_ =	shalt  }
0x7e: {  	_ =	shalt  }
0x7f: {  	_ =	shalt  }
0x80: {  	_ =	shalt  }
0x81: {  	_ =	shalt  }
0x82: {  	_ =	shalt  }
0x83: {  	_ =	shalt  }
0x84: {  	_ =	shalt  }
0x85: {  	_ =	shalt  }
0x86: {  	_ =	shalt  }
0x87: {  	_ =	shalt  }
.Lfunc_end0:
.L_simem_size_0:
called_computation_lowered:
.L_overlay_start_0:
0x88: {  	s2 =	sld [smem:$0x3FD9]  }
0x89: {  	s3 =	sld [smem:$0x3FFE];
	_ =	sdelay $0x1  }
0x8a: {  	s1 =	srdreg.scid  }
0x8b: {  	s0 =	sand.u32 $0x1, s1  }
0x8c: {  	s18 =	sshll.u32 s0, $0xA;
	s2 =	sadd.s32 s3, s2  }
0x8d: {  	s2 =	sadd.s32 s2, s18  }
0x8e: {  	[smem:$0x3FC5] =	sst s2  }
0x8f: {  	_ = 	snop  }
0x90: {  	s2 =	sld [smem:$0x3FC9]  }
0x91: {  	s19 =	sld [smem:$0x3FC8]  }
0x92: {  	s4 =	sld [smem:$0x3FC7]  }
0x93: {  	s5 =	sld [smem:$0x3FD0];
	(tm) =	ssettm $0x1  }
0x94: {  	s6 =	sld [smem:$0x3FFB];
	_ =	sdelay $0x3  }
0x95: {  	_ =	strace s6  }
0x96: {  	s6 =	sld [smem:$0x3FFC];
	_ =	sdelay $0x3  }
0x97: {  	_ =	strace s6  }
0x98: {  	s6 =	sld [smem:$0x3FFD];
	_ =	sdelay $0x3  }
0x99: {  	_ =	strace s6  }
0x9a: {  	_ =	strace $0x8FFFFFFF  }
0x9b: {  	s20 =	sld [smem:$0x3FDB];
	_ =	sdelay $0x1  }
0x9c: {  	s7 =	simm.s32 $_scs_section_size  }
0x9d: {  	s8 =	simm.s32 $_size__tile_overlayer_lowered;
	s9 =	simm.s32 $_tile_overlayer_lowered  }
0x9e: {  	s23 =	simm.s32 $0x1BFF;
	s22 =	sshll.u32 s9, $0x1;
	s6 =	sadd.s32 s7, s20  }
0x9f: {  	s10 =	simm.s32 $0x0;
	s21 =	sshll.u32 s8, $0x1;
	s8 =	sadd.s32 s22, s6  }
0xa0: {  	[timem:s10], [sflag:s23] =	dma.local [hbm:s8], s21  }
0xa1: {  	_ =	swait.ge [sflag:s23], s21  }
0xa2: {  	s7 =	ssub.s32 $0x0, s21;
	[sflag:s23] =	ssyncset.done $0x0  }
0xa3: {  	[sflag:s23] =	ssyncadd.s32 s7;
	_ =	sdelay $0x1  }
0xa4: {  	s24 =	simm.s32 $0x1B8B  }
0xa5: {  	_ =	swait.ge [sflag:s24], $0x1  }
0xa6: {  	[sflag:s24] =	ssyncset.done $0x0  }
0xa7: {  	s25 =	simm.s32 $0x1B8E;
	[sflag:s24] =	ssyncadd.s32 $0xFFFFFFFF  }
0xa8: {  	s26 =	simm.s32 $execute0_lowered;
	[smem:$0x3FD2] =	sst s25  }
0xa9: {  	s7 =	sshll.u32 s26, $0x1;
	_ =	strace $0x80000046;
	[dreg:$0x1] =	wrdreg $0xFFFFFFFF  }
0xaa: {  	s28 =	simm.s32 $_size_execute0_lowered;
	s6 =	sadd.s32 s6, s7;
	[dreg:$0x0] =	wrdreg $0x0  }
0xab: {  	s7 =	sshll.u32 s28, $0x1;
	[dreg:$0x2] =	wrdreg s6  }
0xac: {  	[dreg:$0x3] =	wrdreg s7  }
0xad: {  	[dreg:$0x4] =	wrdreg $0xC0  }
0xae: {  	_ =	task [dreg:s10], $0x5FFFF  }
0xaf: {  	[dreg:$0x1] =	wrdreg $0xFFFFFFFF  }
0xb0: {  	[dreg:$0x0] =	wrdreg $0x60  }
0xb1: {  	[dreg:$0x2] =	wrdreg s2  }
0xb2: {  	[dreg:$0x3] =	wrdreg s19  }
0xb3: {  	[dreg:$0x4] =	wrdreg s4  }
0xb4: {  	[dreg:$0x5] =	wrdreg s5  }
0xb5: {  	[dreg:$0x6] =	wrdreg $0xC800  }
0xb6: {  	[dreg:$0x7] =	wrdreg $0x9  }
0xb7: {  	_ =	task.clear_ibuf [dreg:s10], $0x8FFFF;
	_ =	strace $0x90000046  }
0xb8: {  	s29 =	simm.s32 $0x9;
	_ =	strace $0x80000048  }
0xb9: {  	_ =	swait.ge [sflag:s29], $0x1  }
0xba: {  	[sflag:s29] =	ssyncadd.s32 $0xFFFFFFFF  }
0xbb: {  	_ =	strace $0x90000048  }
0xbc: {  	_ =	sfence  }
0xbd: {  	s30 =	sld [smem:$0x0];
	_ =	sdelay $0x2  }
0xbe: {  	s31 =	sshll.u32 s1, $0xD;
	s1 =	sshrl.u32 s1, $0x2  }
0xbf: {  	s3 =	sand.u32 $0x4000, s31;
	s1 =	sadd.s32 s1, s30  }
0xc0: {  	s0 =	sor.u32 s3, s0;
	s1 =	sshll.u32 s1, $0x11  }
0xc1: {  	s0 =	sor.u32 s1, s0  }
0xc2: {  	s0 =	sadd.s32 $0x8F2B, s0  }
0xc3: {  	[sflag:s0] =	ssyncadd.remote.s32 $0x1  }
0xc4: {  	_ =	sfence.sel $0xFFFF  }
0xc5: {  	[dreg:$0x0] =	wrdreg $0xFFFFFFFF;
	(pc) =	sbr.abs _section_cstart, $3  }
0xc6: {  	[dreg:$0x1] =	wrdreg $0xFFFFFFFF  }
0xc7: {  	_ =	task.clear_ibuf [dreg:s10], $0x2FFFF;
	_ =	strace $0x9FFFFFFF  }
0xc8: {  	(tm) =	ssettm $0x7FFFFFFF  }
0xc9: {  	_ =	shalt  }
tec
execute0_lowered:
.L_overlay_start_1:
0x0: {  	(tag) =	ssettag $0x1  }
0x1: {  	s5 =	rddreg [dreg:$0x0]  }
0x2: {  	s0 =	rddreg [dreg:$0x1]  }
0x3: {  	s1 =	srdreg.scid;
	s3 =	stileid.u32  }
0x4: {  	s2 =	rddreg [dreg:$0x2];
	s6 =	sand.u32 $0x1, s1;
	s15 =	sshll.u32 s3, $0x1  }
0x5: {  	s4 =	rddreg [dreg:$0x3];
	s1 =	sor.u32 s6, s15  }
0x6: {  	s20 =	rddreg [dreg:$0x5];
	s7 =	smul.u32 $0xC40, s1  }
0x7: {  	s30 =	simm.s32 $0x700;
	[dreg:$0x6] =	wrdreg s2  }
0x8: {  	p1 =	por $0x0, $0x0;
	s2 =	rddreg [dreg:$0x4];
	s7 =	smin.u32 s7, $0x17A60  }
0x9: {  	p0 =	sne.s32 s3, $0x0;
	s1 =	simm.s32 $0x0;
	s8 =	sshll.u32 s7, $0x4  }
0xa: {  	[smem:$0x7FF] =	sst s1;
	s7 =	sshrl.u32 s7, $0x3;
	s9 =	sadd.s32 s5, s8  }
0xb: {  	_ =	strace $0x80000047;
	s0 =	sadd.s32 s0, s7;
	[dreg:$0x7] =	wrdreg s9  }
0xc: {  	s10 =	sadd.s32 $0xE00, s8;
	s22 =	sadd.s32 s4, s8;
	[dreg:$0x9] =	wrdreg s0  }
0xd: {  	s17 =	sadd.s32 $0x1C00, s8;
	s16 =	sadd.s32 s5, s10;
	[dreg:$0xc] =	wrdreg s22  }
0xe: {  	s19 =	sadd.s32 $0x2A00, s8;
	s18 =	sadd.s32 s5, s17;
	[dreg:$0x8] =	wrdreg s16  }
0xf: {  	s11 =	sadd.s32 $0x3800, s8;
	s21 =	sadd.s32 s5, s19;
	[dreg:$0xa] =	wrdreg s18  }
0x10: {  	s3 =	simm.s32 $0x9C80;
	s23 =	sadd.s32 s5, s11;
	[dreg:$0xb] =	wrdreg s21  }
0x11: {  	s25 =	sadd.s32 $0x4600, s8;
	s24 =	sadd.s32 s4, s10;
	[dreg:$0xd] =	wrdreg s23  }
0x12: {  	s28 =	sshrl.u32 @!p0 s2, $0x3;
	s26 =	sadd.s32 s5, s25;
	[dreg:$0xe] =	wrdreg s24  }
0x13: {  	s31 =	sadd.s32 $0x5400, s8;
	s29 =	sadd.s32 s4, s17;
	[dreg:$0xf] =	wrdreg s26  }
0x14: {  	s14 =	sadd.s32 $0x6200, s8;
	s12 =	sadd.s32 s5, s31;
	[dreg:$0x10] =	wrdreg s29  }
0x15: {  	s7 =	simm.s32 $0xE0;
	s13 =	sadd.s32 s4, s19;
	[dreg:$0x11] =	wrdreg s12  }
0x16: {  	s15 =	sadd.s32 s5, s14;
	s17 =	sadd.s32 $0x7000, s8;
	[dreg:$0x12] =	wrdreg s13  }
0x17: {  	s19 =	sadd.s32 s4, s25;
	s10 =	simm.s32 $0x2;
	[dreg:$0x13] =	wrdreg s15  }
0x18: {  	s9 =	simm.s32 $0x6;
	s16 =	sadd.s32 s4, s11;
	[dreg:$0x16] =	wrdreg s19  }
0x19: {  	s18 =	sadd.s32 s5, s17;
	s21 =	sadd.s32 $0x7E00, s8;
	s0 =	rddreg [dreg:$0x7]  }
0x1a: {  	s23 =	sadd.s32 s4, s31;
	s24 =	sadd.s32 $0x8C00, s8;
	[dreg:$0x14] =	wrdreg s16  }
0x1b: {  	s26 =	sadd.s32 s4, s14;
	s29 =	sadd.s32 $0x9A00, s8;
	[dreg:$0x15] =	wrdreg s18  }
0x1c: {  	s11 =	sadd.s32 s4, s17;
	s12 =	sadd.s32 $0xA800, s8;
	[dreg:$0x18] =	wrdreg s23  }
0x1d: {  	s8 =	sadd.s32 $0xB600, s8;
	s17 =	ssub.s32 $0x2, s6;
	[dreg:$0x1a] =	wrdreg s26  }
0x1e: {  	s22 =	sadd.s32 s5, s21;
	s25 =	sadd.s32 s5, s24;
	[dreg:$0x1c] =	wrdreg s11  }
0x1f: {  	s31 =	sadd.s32 s5, s29;
	s13 =	sadd.s32 s5, s12;
	[dreg:$0x17] =	wrdreg s22  }
0x20: {  	s14 =	sadd.s32 s4, s21;
	s15 =	sadd.s32 s5, s8;
	[dreg:$0x19] =	wrdreg s25  }
0x21: {  	s16 =	sadd.s32 s4, s24;
	s18 =	sadd.s32 s4, s29;
	[dreg:$0x1b] =	wrdreg s31  }
0x22: {  	s6 =	sshrl.u32 s17, $0x1;
	s19 =	sadd.s32 s4, s12;
	[dreg:$0x1d] =	wrdreg s13  }
0x23: {  	s21 =	sadd.s32 s4, s8;
	s26 =	simm.s32 $0xD;
	[dreg:$0x1e] =	wrdreg s14  }
0x24: {  	s8 =	simm.s32 $0x5;
	s24 =	simm.s32 $0x1C0;
	[dreg:$0x1f] =	wrdreg s15  }
0x25: {  	s4 =	simm.s32 $0x9;
	s29 =	simm.s32 $0x380;
	[smem:$0x7F4] =	sst s16  }
0x26: {  	s11 =	simm.s32 $0xB;
	s12 =	simm.s32 $0x460;
	[smem:$0x7F5] =	sst s18  }
0x27: {  	s23 =	simm.s32 $0x9A0;
	s5 =	ssub.s32 s17, s6;
	[smem:$0x7F6] =	sst s19  }
0x28: {  	[smem:$0x7F7] =	sst s21;
	s14 =	simm.s32 $0x1;
	s15 =	simm.s32 $0x10C80  }
0x29: {  	s13 =	simm.s32 $0x17C80;
	s18 =	simm.s32 $0x540;
	s22 =	smax.u32 s5, $0x1  }
0x2a: {  	s21 =	simm.s32 $0x3;
	[smem:$0x7FC] =	sst s18;
	s18 =	sadd.s32 $0xFFFFFFFF, s22  }
0x2b: {  	[smem:$0x7F8] =	sst s24;
	s25 =	simm.s32 $0x2A0;
	p2 =	sne.s32 s18, $0x0  }
.Ltmp0:
0x2c: {  	s19 =	simm.s32 $0x4;
	s6 =	simm.s32 $0xA;
	(pc) =	sbr.rel @!p2 .LBB2_1-.Ltmp0, $4  }
0x2d: {  	s17 =	simm.s32 $0x7;
	[smem:$0x7FA] =	sst s29;
	s16 =	simm.s32 $0x8  }
0x2e: {  	[smem:$0x7FB] =	sst s12;
	s12 =	simm.s32 $0xC;
	s31 =	simm.s32 $0x620  }
0x2f: {  	s24 =	simm.s32 $0x8C0;
	s5 =	simm.s32 $0x2C80;
	[smem:$0x7F9] =	sst s25  }
0x30: {  	[smem:$0x7FD] =	sst s31;
	s25 =	simm.s32 $0x7E0;
	s22 =	simm.s32 $0xA80  }
0x31: {  	s29 =	rddreg [dreg:$0x8]  }
0x32: {  	[tilespmem:s5], [sflag:$0x1] =	stream.linear.gather [hbm4b:s0+s1], $0x7000, $0x38;
	[tilespmem:$0x1EC80] =	vst v63  }
0x33: {  	s20 =	rddreg [dreg:$0x9]  }
0x34: {  	[tilespmem:s3], [sflag:$0x2] =	stream.linear.gather [hbm4b:s29+s1], $0x7000, $0x38;
	[tilespmem:$0x1EC80] =	vst v63  }
0x35: {  	s31 =	rddreg [dreg:$0x6];
	s0 =	simm.s32 @!p0 $0x1C0E;
	s30 =	simm.s32 @!p0 $0xE  }
0x36: {  	[tilespmem:s1], [sflag:$0xD] =	stream.linear.gather [hbm4b:s20+s1], $0xC40, $0x38;
	[tilespmem:$0x1EC80] =	vst v63  }
0x37: {  	[spmem:s28], [sflag:s0] =	dma.local @!p0 [hbm:s31], $0x4000  }
0x38: {  	_ =	swait.ge @!p0 [sflag:s30], $0x4000  }
0x39: {  	[sflag:s30] =	ssyncset.done @!p0 $0x0  }
0x3a: {  	[sflag:s30] =	ssyncadd.s32 @!p0 $0xFFFFC000  }
0x3b: {  	_ =	swait.ge [sflag:s26], $0xC40  }
0x3c: {  	[sflag:s26] =	ssyncset.done $0x0  }
0x3d: {  	[sflag:s26] =	ssyncadd.s32 $0xFFFFF3C0  }
0x3e: {  	[bflag:$0x0] =	sbarrier.arrive $0xFFFF  }
0x3f: {  	_ =	swait.ge [sflag:s14], $0x7000  }
0x40: {  	[sflag:s14] =	ssyncset.done $0x0  }
0x41: {  	[sflag:s14] =	ssyncadd.s32 $0xFFFF9000  }
0x42: {  	[tilespmem:s5], [sflag:$0x5] =	stream.indirect.gather.add.f32 [spmem:s2], $0x80, s1, s7, $0xb8;
	[tilespmem:$0x1EC80] =	vst v63  }
0x43: {  	s22 =	rddreg [dreg:$0xa]  }
0x44: {  	[tilespmem:s15], [sflag:$0x3] =	stream.linear.gather [hbm4b:s22+s1], $0x7000, $0x38;
	[tilespmem:$0x1EC80] =	vst v63  }
0x45: {  	_ =	swait.ge [sflag:s10], $0x7000  }
0x46: {  	[sflag:s10] =	ssyncset.done $0x0  }
0x47: {  	[sflag:s10] =	ssyncadd.s32 $0xFFFF9000  }
0x48: {  	[tilespmem:s3], [sflag:$0x6] =	stream.indirect.gather.add.f32 [spmem:s2], $0x80, s7, s7, $0xb8;
	[tilespmem:$0x1EC80] =	vst v63  }
0x49: {  	s22 =	rddreg [dreg:$0xb]  }
0x4a: {  	[tilespmem:s13], [sflag:$0x4] =	stream.linear.gather [hbm4b:s22+s1], $0x7000, $0x38;
	[tilespmem:$0x1EC80] =	vst v63  }
0x4b: {  	_ =	swait.ge [sflag:s8], $0x7000  }
0x4c: {  	[sflag:s8] =	ssyncset.done $0x0  }
0x4d: {  	s22 =	rddreg [dreg:$0xc];
	[sflag:s8] =	ssyncadd.s32 $0xFFFF9000  }
0x4e: {  	[hbm4b:s22+s1] =	stream.linear.scatter [tilespmem:s5], [sflag:$0x9], $0x7000, $0x38;
	[tilespmem:$0x1EC80] =	vst v63  }
0x4f: {  	_ =	swait.ge [sflag:s21], $0x7000  }
0x50: {  	s22 =	sld [smem:$0x7F8]  }
0x51: {  	[sflag:s21] =	ssyncset.done $0x0  }
0x52: {  	[sflag:s21] =	ssyncadd.s32 $0xFFFF9000  }
0x53: {  	[tilespmem:s15], [sflag:$0x7] =	stream.indirect.gather.add.f32 [spmem:s2], $0x80, s22, s7, $0xb8;
	[tilespmem:$0x1EC80] =	vst v63  }
0x54: {  	_ =	swait.ge [sflag:s4], $0x7000  }
0x55: {  	[sflag:s4] =	ssyncset.done $0x0  }
0x56: {  	s22 =	rddreg [dreg:$0xd];
	[sflag:s4] =	ssyncadd.s32 $0xFFFF9000  }
0x57: {  	[tilespmem:s5], [sflag:$0x1] =	stream.linear.gather [hbm4b:s22+s1], $0x7000, $0x38;
	[tilespmem:$0x1EC80] =	vst v63  }
0x58: {  	_ =	swait.ge [sflag:s9], $0x7000  }
0x59: {  	[sflag:s9] =	ssyncset.done $0x0  }
0x5a: {  	s22 =	rddreg [dreg:$0xe];
	[sflag:s9] =	ssyncadd.s32 $0xFFFF9000  }
0x5b: {  	[hbm4b:s22+s1] =	stream.linear.scatter [tilespmem:s3], [sflag:$0xA], $0x7000, $0x38;
	[tilespmem:$0x1EC80] =	vst v63  }
0x5c: {  	_ =	swait.ge [sflag:s19], $0x7000  }
0x5d: {  	s22 =	sld [smem:$0x7F9]  }
0x5e: {  	[sflag:s19] =	ssyncset.done $0x0  }
0x5f: {  	[sflag:s19] =	ssyncadd.s32 $0xFFFF9000  }
0x60: {  	[tilespmem:s13], [sflag:$0x8] =	stream.indirect.gather.add.f32 [spmem:s2], $0x80, s22, s7, $0xb8;
	[tilespmem:$0x1EC80] =	vst v63  }
0x61: {  	_ =	swait.ge [sflag:s6], $0x7000  }
0x62: {  	[sflag:s6] =	ssyncset.done $0x0  }
0x63: {  	s22 =	rddreg [dreg:$0xf];
	[sflag:s6] =	ssyncadd.s32 $0xFFFF9000  }
0x64: {  	[tilespmem:s3], [sflag:$0x2] =	stream.linear.gather [hbm4b:s22+s1], $0x7000, $0x38;
	[tilespmem:$0x1EC80] =	vst v63  }
0x65: {  	_ =	swait.ge [sflag:s17], $0x7000  }
0x66: {  	[sflag:s17] =	ssyncset.done $0x0  }
0x67: {  	s22 =	rddreg [dreg:$0x10];
	[sflag:s17] =	ssyncadd.s32 $0xFFFF9000  }
0x68: {  	[hbm4b:s22+s1] =	stream.linear.scatter [tilespmem:s15], [sflag:$0xB], $0x7000, $0x38;
	[tilespmem:$0x1EC80] =	vst v63  }
0x69: {  	_ =	swait.ge [sflag:s14], $0x7000  }
0x6a: {  	s22 =	sld [smem:$0x7FA]  }
0x6b: {  	[sflag:s14] =	ssyncset.done $0x0  }
0x6c: {  	[sflag:s14] =	ssyncadd.s32 $0xFFFF9000  }
0x6d: {  	[tilespmem:s5], [sflag:$0x5] =	stream.indirect.gather.add.f32 [spmem:s2], $0x80, s22, s7, $0xb8;
	[tilespmem:$0x1EC80] =	vst v63  }
0x6e: {  	_ =	swait.ge [sflag:s11], $0x7000  }
0x6f: {  	[sflag:s11] =	ssyncset.done $0x0  }
0x70: {  	s22 =	rddreg [dreg:$0x11];
	[sflag:s11] =	ssyncadd.s32 $0xFFFF9000  }
0x71: {  	[tilespmem:s15], [sflag:$0x3] =	stream.linear.gather [hbm4b:s22+s1], $0x7000, $0x38;
	[tilespmem:$0x1EC80] =	vst v63  }
0x72: {  	_ =	swait.ge [sflag:s16], $0x7000  }
0x73: {  	[sflag:s16] =	ssyncset.done $0x0  }
0x74: {  	s22 =	rddreg [dreg:$0x12];
	[sflag:s16] =	ssyncadd.s32 $0xFFFF9000  }
0x75: {  	[hbm4b:s22+s1] =	stream.linear.scatter [tilespmem:s13], [sflag:$0xC], $0x7000, $0x38;
	[tilespmem:$0x1EC80] =	vst v63  }
0x76: {  	_ =	swait.ge [sflag:s10], $0x7000  }
0x77: {  	s22 =	sld [smem:$0x7FB]  }
0x78: {  	[sflag:s10] =	ssyncset.done $0x0  }
0x79: {  	[sflag:s10] =	ssyncadd.s32 $0xFFFF9000  }
0x7a: {  	[tilespmem:s3], [sflag:$0x6] =	stream.indirect.gather.add.f32 [spmem:s2], $0x80, s22, s7, $0xb8;
	[tilespmem:$0x1EC80] =	vst v63  }
0x7b: {  	_ =	swait.ge [sflag:s12], $0x7000  }
0x7c: {  	[sflag:s12] =	ssyncset.done $0x0  }
0x7d: {  	s22 =	rddreg [dreg:$0x13];
	[sflag:s12] =	ssyncadd.s32 $0xFFFF9000  }
0x7e: {  	[tilespmem:s13], [sflag:$0x4] =	stream.linear.gather [hbm4b:s22+s1], $0x7000, $0x38;
	[tilespmem:$0x1EC80] =	vst v63  }
0x7f: {  	_ =	swait.ge [sflag:s8], $0x7000  }
0x80: {  	[sflag:s8] =	ssyncset.done $0x0  }
0x81: {  	s22 =	rddreg [dreg:$0x14];
	[sflag:s8] =	ssyncadd.s32 $0xFFFF9000  }
0x82: {  	[hbm4b:s22+s1] =	stream.linear.scatter [tilespmem:s5], [sflag:$0x9], $0x7000, $0x38;
	[tilespmem:$0x1EC80] =	vst v63  }
0x83: {  	_ =	swait.ge [sflag:s21], $0x7000  }
0x84: {  	s22 =	sld [smem:$0x7FC]  }
0x85: {  	[sflag:s21] =	ssyncset.done $0x0  }
0x86: {  	[sflag:s21] =	ssyncadd.s32 $0xFFFF9000  }
0x87: {  	[tilespmem:s15], [sflag:$0x7] =	stream.indirect.gather.add.f32 [spmem:s2], $0x80, s22, s7, $0xb8;
	[tilespmem:$0x1EC80] =	vst v63  }
0x88: {  	_ =	swait.ge [sflag:s4], $0x7000  }
0x89: {  	[sflag:s4] =	ssyncset.done $0x0  }
0x8a: {  	s22 =	rddreg [dreg:$0x15];
	[sflag:s4] =	ssyncadd.s32 $0xFFFF9000  }
0x8b: {  	[tilespmem:s5], [sflag:$0x1] =	stream.linear.gather [hbm4b:s22+s1], $0x7000, $0x38;
	[tilespmem:$0x1EC80] =	vst v63  }
0x8c: {  	_ =	swait.ge [sflag:s9], $0x7000  }
0x8d: {  	[sflag:s9] =	ssyncset.done $0x0  }
0x8e: {  	s22 =	rddreg [dreg:$0x16];
	[sflag:s9] =	ssyncadd.s32 $0xFFFF9000  }
0x8f: {  	[hbm4b:s22+s1] =	stream.linear.scatter [tilespmem:s3], [sflag:$0xA], $0x7000, $0x38;
	[tilespmem:$0x1EC80] =	vst v63  }
0x90: {  	_ =	swait.ge [sflag:s19], $0x7000  }
0x91: {  	s22 =	sld [smem:$0x7FD]  }
0x92: {  	[sflag:s19] =	ssyncset.done $0x0  }
0x93: {  	[sflag:s19] =	ssyncadd.s32 $0xFFFF9000  }
0x94: {  	[tilespmem:s13], [sflag:$0x8] =	stream.indirect.gather.add.f32 [spmem:s2], $0x80, s22, s7, $0xb8;
	[tilespmem:$0x1EC80] =	vst v63  }
0x95: {  	_ =	swait.ge [sflag:s6], $0x7000  }
0x96: {  	[sflag:s6] =	ssyncset.done $0x0  }
0x97: {  	s22 =	rddreg [dreg:$0x17];
	[sflag:s6] =	ssyncadd.s32 $0xFFFF9000  }
0x98: {  	[tilespmem:s3], [sflag:$0x2] =	stream.linear.gather [hbm4b:s22+s1], $0x7000, $0x38;
	[tilespmem:$0x1EC80] =	vst v63  }
0x99: {  	_ =	swait.ge [sflag:s17], $0x7000  }
0x9a: {  	[sflag:s17] =	ssyncset.done $0x0  }
0x9b: {  	s22 =	rddreg [dreg:$0x18];
	[sflag:s17] =	ssyncadd.s32 $0xFFFF9000  }
0x9c: {  	[hbm4b:s22+s1] =	stream.linear.scatter [tilespmem:s15], [sflag:$0xB], $0x7000, $0x38;
	[tilespmem:$0x1EC80] =	vst v63  }
0x9d: {  	_ =	swait.ge [sflag:s14], $0x7000  }
0x9e: {  	[sflag:s14] =	ssyncset.done $0x0  }
0x9f: {  	s29 =	simm.s32 $0x700;
	[sflag:s14] =	ssyncadd.s32 $0xFFFF9000  }
0xa0: {  	[tilespmem:s5], [sflag:$0x5] =	stream.indirect.gather.add.f32 [spmem:s2], $0x80, s29, s7, $0xb8;
	[tilespmem:$0x1EC80] =	vst v63  }
0xa1: {  	_ =	swait.ge [sflag:s11], $0x7000  }
0xa2: {  	[sflag:s11] =	ssyncset.done $0x0  }
0xa3: {  	s0 =	rddreg [dreg:$0x19];
	[sflag:s11] =	ssyncadd.s32 $0xFFFF9000  }
0xa4: {  	[tilespmem:s15], [sflag:$0x3] =	stream.linear.gather [hbm4b:s0+s1], $0x7000, $0x38;
	[tilespmem:$0x1EC80] =	vst v63  }
0xa5: {  	_ =	swait.ge [sflag:s16], $0x7000  }
0xa6: {  	[sflag:s16] =	ssyncset.done $0x0  }
0xa7: {  	s0 =	rddreg [dreg:$0x1a];
	[sflag:s16] =	ssyncadd.s32 $0xFFFF9000  }
0xa8: {  	[hbm4b:s0+s1] =	stream.linear.scatter [tilespmem:s13], [sflag:$0xC], $0x7000, $0x38;
	[tilespmem:$0x1EC80] =	vst v63  }
0xa9: {  	_ =	swait.ge [sflag:s10], $0x7000  }
0xaa: {  	[sflag:s10] =	ssyncset.done $0x0  }
0xab: {  	s25 =	simm.s32 $0x7E0;
	[sflag:s10] =	ssyncadd.s32 $0xFFFF9000  }
0xac: {  	[tilespmem:s3], [sflag:$0x6] =	stream.indirect.gather.add.f32 [spmem:s2], $0x80, s25, s7, $0xb8;
	[tilespmem:$0x1EC80] =	vst v63  }
0xad: {  	_ =	swait.ge [sflag:s12], $0x7000  }
0xae: {  	[sflag:s12] =	ssyncset.done $0x0  }
0xaf: {  	s25 =	rddreg [dreg:$0x1b];
	[sflag:s12] =	ssyncadd.s32 $0xFFFF9000  }
0xb0: {  	[tilespmem:s13], [sflag:$0x4] =	stream.linear.gather [hbm4b:s25+s1], $0x7000, $0x38;
	[tilespmem:$0x1EC80] =	vst v63  }
0xb1: {  	_ =	swait.ge [sflag:s8], $0x7000  }
0xb2: {  	[sflag:s8] =	ssyncset.done $0x0  }
0xb3: {  	s25 =	rddreg [dreg:$0x1c];
	[sflag:s8] =	ssyncadd.s32 $0xFFFF9000  }
0xb4: {  	[hbm4b:s25+s1] =	stream.linear.scatter [tilespmem:s5], [sflag:$0x9], $0x7000, $0x38;
	[tilespmem:$0x1EC80] =	vst v63  }
0xb5: {  	_ =	swait.ge [sflag:s21], $0x7000  }
0xb6: {  	[sflag:s21] =	ssyncset.done $0x0  }
0xb7: {  	s24 =	simm.s32 $0x8C0;
	[sflag:s21] =	ssyncadd.s32 $0xFFFF9000  }
0xb8: {  	[tilespmem:s15], [sflag:$0x7] =	stream.indirect.gather.add.f32 [spmem:s2], $0x80, s24, s7, $0xb8;
	[tilespmem:$0x1EC80] =	vst v63  }
0xb9: {  	_ =	swait.ge [sflag:s4], $0x7000  }
0xba: {  	[sflag:s4] =	ssyncset.done $0x0  }
0xbb: {  	s24 =	rddreg [dreg:$0x1d];
	[sflag:s4] =	ssyncadd.s32 $0xFFFF9000  }
0xbc: {  	[tilespmem:s5], [sflag:$0x1] =	stream.linear.gather [hbm4b:s24+s1], $0x7000, $0x38;
	[tilespmem:$0x1EC80] =	vst v63  }
0xbd: {  	_ =	swait.ge [sflag:s9], $0x7000  }
0xbe: {  	[sflag:s9] =	ssyncset.done $0x0  }
0xbf: {  	s24 =	rddreg [dreg:$0x1e];
	[sflag:s9] =	ssyncadd.s32 $0xFFFF9000  }
0xc0: {  	[hbm4b:s24+s1] =	stream.linear.scatter [tilespmem:s3], [sflag:$0xA], $0x7000, $0x38;
	[tilespmem:$0x1EC80] =	vst v63  }
0xc1: {  	_ =	swait.ge [sflag:s19], $0x7000  }
0xc2: {  	[sflag:s19] =	ssyncset.done $0x0  }
0xc3: {  	s23 =	simm.s32 $0x9A0;
	[sflag:s19] =	ssyncadd.s32 $0xFFFF9000  }
0xc4: {  	[tilespmem:s13], [sflag:$0x8] =	stream.indirect.gather.add.f32 [spmem:s2], $0x80, s23, s7, $0xb8;
	[tilespmem:$0x1EC80] =	vst v63  }
0xc5: {  	_ =	swait.ge [sflag:s6], $0x7000  }
0xc6: {  	[sflag:s6] =	ssyncset.done $0x0  }
0xc7: {  	s23 =	rddreg [dreg:$0x1f];
	[sflag:s6] =	ssyncadd.s32 $0xFFFF9000  }
0xc8: {  	[tilespmem:s3], [sflag:$0x2] =	stream.linear.gather [hbm4b:s23+s1], $0x7000, $0x38;
	[tilespmem:$0x1EC80] =	vst v63  }
0xc9: {  	_ =	swait.ge [sflag:s17], $0x7000  }
0xca: {  	s23 =	sld [smem:$0x7F4]  }
0xcb: {  	[sflag:s17] =	ssyncset.done $0x0  }
0xcc: {  	[sflag:s17] =	ssyncadd.s32 $0xFFFF9000  }
0xcd: {  	[hbm4b:s23+s1] =	stream.linear.scatter [tilespmem:s15], [sflag:$0xB], $0x7000, $0x38;
	[tilespmem:$0x1EC80] =	vst v63  }
0xce: {  	_ =	swait.ge [sflag:s14], $0x7000  }
0xcf: {  	[sflag:s14] =	ssyncset.done $0x0  }
0xd0: {  	s20 =	simm.s32 $0xA80;
	[sflag:s14] =	ssyncadd.s32 $0xFFFF9000  }
0xd1: {  	[tilespmem:s5], [sflag:$0x5] =	stream.indirect.gather.add.f32 [spmem:s2], $0x80, s20, s7, $0xb8;
	[tilespmem:$0x1EC80] =	vst v63  }
0xd2: {  	_ =	swait.ge [sflag:s16], $0x7000  }
0xd3: {  	s20 =	sld [smem:$0x7F5]  }
0xd4: {  	[sflag:s16] =	ssyncset.done $0x0  }
0xd5: {  	[sflag:s16] =	ssyncadd.s32 $0xFFFF9000  }
0xd6: {  	[hbm4b:s20+s1] =	stream.linear.scatter [tilespmem:s13], [sflag:$0xC], $0x7000, $0x38;
	[tilespmem:$0x1EC80] =	vst v63  }
0xd7: {  	_ =	swait.ge [sflag:s10], $0x7000  }
0xd8: {  	[sflag:s10] =	ssyncset.done $0x0  }
0xd9: {  	s20 =	simm.s32 $0xB60;
	[sflag:s10] =	ssyncadd.s32 $0xFFFF9000  }
0xda: {  	[tilespmem:s3], [sflag:$0x6] =	stream.indirect.gather.add.f32 [spmem:s2], $0x80, s20, s7, $0xb8;
	[tilespmem:$0x1EC80] =	vst v63  }
0xdb: {  	_ =	swait.ge [sflag:s8], $0x7000  }
0xdc: {  	s20 =	sld [smem:$0x7F6]  }
0xdd: {  	[sflag:s8] =	ssyncset.done $0x0  }
0xde: {  	[sflag:s8] =	ssyncadd.s32 $0xFFFF9000  }
0xdf: {  	[hbm4b:s20+s1] =	stream.linear.scatter [tilespmem:s5], [sflag:$0x9], $0x7000, $0x38;
	[tilespmem:$0x1EC80] =	vst v63  }
0xe0: {  	_ =	swait.ge [sflag:s9], $0x7000  }
0xe1: {  	s20 =	sld [smem:$0x7F7]  }
0xe2: {  	[sflag:s9] =	ssyncset.done $0x0  }
0xe3: {  	[sflag:s9] =	ssyncadd.s32 $0xFFFF9000  }
0xe4: {  	[hbm4b:s20+s1] =	stream.linear.scatter [tilespmem:s3], [sflag:$0xA], $0x7000, $0x38;
	[tilespmem:$0x1EC80] =	vst v63  }
0xe5: {  	_ =	swait.ge [sflag:s11], $0x7000  }
0xe6: {  	[sflag:s11] =	ssyncset.done $0x0  }
0xe7: {  	[sflag:s11] =	ssyncadd.s32 $0xFFFF9000  }
0xe8: {  	_ =	swait.ge [sflag:s12], $0x7000  }
0xe9: {  	s31 =	sadd.s32 $0xFFFFFFFF, s18;
	[sflag:s12] =	ssyncset.done $0x0  }
0xea: {  	p2 =	sne.s32 s31, $0x0;
	[sflag:s12] =	ssyncadd.s32 $0xFFFF9000  }
.Ltmp1:
0xeb: {  	_ =	swait.ge [sflag:s4], $0x7000;
	(pc) =	sbr.rel @!p2 .LBB2_3-.Ltmp1, $4  }
0xec: {  	p1 =	por $0x1, $0x1;
	[sflag:s4] =	ssyncset.done $0x0  }
0xed: {  	s22 =	simm.s32 $0x700;
	s29 =	simm.s32 $0x7E0;
	[sflag:s4] =	ssyncadd.s32 $0xFFFF9000  }
0xee: {  	s25 =	simm.s32 $0x8C0;
	s24 =	simm.s32 $0x9A0;
	_ =	swait.ge [sflag:s6], $0x7000  }
0xef: {  	s23 =	simm.s32 $0xA80;
	s0 =	rddreg [dreg:$0x7];
	[sflag:s6] =	ssyncset.done $0x0  }
.LBB2_4:
0xf0: {  	[sflag:s6] =	ssyncadd.s32 $0xFFFF9000  }
0xf1: {  	[tilespmem:s5], [sflag:$0x1] =	stream.linear.gather [hbm4b:s0+s1], $0x7000, $0x38;
	[tilespmem:$0x1EC80] =	vst v63  }
0xf2: {  	s20 =	rddreg [dreg:$0x8]  }
0xf3: {  	[tilespmem:s3], [sflag:$0x2] =	stream.linear.gather [hbm4b:s20+s1], $0x7000, $0x38;
	[tilespmem:$0x1EC80] =	vst v63  }
0xf4: {  	s0 =	rddreg [dreg:$0x9]  }
0xf5: {  	[tilespmem:s1], [sflag:$0xD] =	stream.linear.gather [hbm4b:s0+s1], $0xC40, $0x38;
	[tilespmem:$0x1EC80] =	vst v63  }
0xf6: {  	s18 =	rddreg [dreg:$0x6];
	s0 =	simm.s32 @!p0 $0x1C0E  }
0xf7: {  	[spmem:s28], [sflag:s0] =	dma.local @!p0 [hbm:s18], $0x4000  }
0xf8: {  	_ =	swait.ge @!p0 [sflag:s30], $0x4000  }
0xf9: {  	[sflag:s30] =	ssyncset.done @!p0 $0x0  }
0xfa: {  	[sflag:s30] =	ssyncadd.s32 @!p0 $0xFFFFC000  }
0xfb: {  	_ =	swait.ge [sflag:s26], $0xC40  }
0xfc: {  	[sflag:s26] =	ssyncset.done $0x0  }
0xfd: {  	[sflag:s26] =	ssyncadd.s32 $0xFFFFF3C0  }
0xfe: {  	[bflag:$0x0] =	sbarrier.arrive $0xFFFF  }
0xff: {  	_ =	swait.ge [sflag:s14], $0x7000  }
0x100: {  	[sflag:s14] =	ssyncset.done $0x0  }
0x101: {  	[sflag:s14] =	ssyncadd.s32 $0xFFFF9000  }
0x102: {  	[tilespmem:s5], [sflag:$0x5] =	stream.indirect.gather.add.f32 [spmem:s2], $0x80, s1, s7, $0xb8;
	[tilespmem:$0x1EC80] =	vst v63  }
0x103: {  	s20 =	rddreg [dreg:$0xa]  }
0x104: {  	[tilespmem:s15], [sflag:$0x3] =	stream.linear.gather [hbm4b:s20+s1], $0x7000, $0x38;
	[tilespmem:$0x1EC80] =	vst v63  }
0x105: {  	_ =	swait.ge [sflag:s10], $0x7000  }
0x106: {  	[sflag:s10] =	ssyncset.done $0x0  }
0x107: {  	[sflag:s10] =	ssyncadd.s32 $0xFFFF9000  }
0x108: {  	[tilespmem:s3], [sflag:$0x6] =	stream.indirect.gather.add.f32 [spmem:s2], $0x80, s7, s7, $0xb8;
	[tilespmem:$0x1EC80] =	vst v63  }
0x109: {  	s20 =	rddreg [dreg:$0xb]  }
0x10a: {  	[tilespmem:s13], [sflag:$0x4] =	stream.linear.gather [hbm4b:s20+s1], $0x7000, $0x38;
	[tilespmem:$0x1EC80] =	vst v63  }
0x10b: {  	_ =	swait.ge [sflag:s8], $0x7000  }
0x10c: {  	[sflag:s8] =	ssyncset.done $0x0  }
0x10d: {  	s20 =	rddreg [dreg:$0xc];
	[sflag:s8] =	ssyncadd.s32 $0xFFFF9000  }
0x10e: {  	[hbm4b:s20+s1] =	stream.linear.scatter [tilespmem:s5], [sflag:$0x9], $0x7000, $0x38;
	[tilespmem:$0x1EC80] =	vst v63  }
0x10f: {  	_ =	swait.ge [sflag:s21], $0x7000  }
0x110: {  	s20 =	sld [smem:$0x7F8]  }
0x111: {  	[sflag:s21] =	ssyncset.done $0x0  }
0x112: {  	[sflag:s21] =	ssyncadd.s32 $0xFFFF9000  }
0x113: {  	[tilespmem:s15], [sflag:$0x7] =	stream.indirect.gather.add.f32 [spmem:s2], $0x80, s20, s7, $0xb8;
	[tilespmem:$0x1EC80] =	vst v63  }
0x114: {  	_ =	swait.ge [sflag:s4], $0x7000  }
0x115: {  	[sflag:s4] =	ssyncset.done $0x0  }
0x116: {  	s20 =	rddreg [dreg:$0xd];
	[sflag:s4] =	ssyncadd.s32 $0xFFFF9000  }
0x117: {  	[tilespmem:s5], [sflag:$0x1] =	stream.linear.gather [hbm4b:s20+s1], $0x7000, $0x38;
	[tilespmem:$0x1EC80] =	vst v63  }
0x118: {  	_ =	swait.ge [sflag:s9], $0x7000  }
0x119: {  	[sflag:s9] =	ssyncset.done $0x0  }
0x11a: {  	s20 =	rddreg [dreg:$0xe];
	[sflag:s9] =	ssyncadd.s32 $0xFFFF9000  }
0x11b: {  	[hbm4b:s20+s1] =	stream.linear.scatter [tilespmem:s3], [sflag:$0xA], $0x7000, $0x38;
	[tilespmem:$0x1EC80] =	vst v63  }
0x11c: {  	_ =	swait.ge [sflag:s19], $0x7000  }
0x11d: {  	s20 =	sld [smem:$0x7F9]  }
0x11e: {  	[sflag:s19] =	ssyncset.done $0x0  }
0x11f: {  	[sflag:s19] =	ssyncadd.s32 $0xFFFF9000  }
0x120: {  	[tilespmem:s13], [sflag:$0x8] =	stream.indirect.gather.add.f32 [spmem:s2], $0x80, s20, s7, $0xb8;
	[tilespmem:$0x1EC80] =	vst v63  }
0x121: {  	_ =	swait.ge [sflag:s6], $0x7000  }
0x122: {  	[sflag:s6] =	ssyncset.done $0x0  }
0x123: {  	s20 =	rddreg [dreg:$0xf];
	[sflag:s6] =	ssyncadd.s32 $0xFFFF9000  }
0x124: {  	[tilespmem:s3], [sflag:$0x2] =	stream.linear.gather [hbm4b:s20+s1], $0x7000, $0x38;
	[tilespmem:$0x1EC80] =	vst v63  }
0x125: {  	_ =	swait.ge [sflag:s17], $0x7000  }
0x126: {  	[sflag:s17] =	ssyncset.done $0x0  }
0x127: {  	s20 =	rddreg [dreg:$0x10];
	[sflag:s17] =	ssyncadd.s32 $0xFFFF9000  }
0x128: {  	[hbm4b:s20+s1] =	stream.linear.scatter [tilespmem:s15], [sflag:$0xB], $0x7000, $0x38;
	[tilespmem:$0x1EC80] =	vst v63  }
0x129: {  	_ =	swait.ge [sflag:s14], $0x7000  }
0x12a: {  	s20 =	sld [smem:$0x7FA]  }
0x12b: {  	[sflag:s14] =	ssyncset.done $0x0  }
0x12c: {  	[sflag:s14] =	ssyncadd.s32 $0xFFFF9000  }
0x12d: {  	[tilespmem:s5], [sflag:$0x5] =	stream.indirect.gather.add.f32 [spmem:s2], $0x80, s20, s7, $0xb8;
	[tilespmem:$0x1EC80] =	vst v63  }
0x12e: {  	_ =	swait.ge [sflag:s11], $0x7000  }
0x12f: {  	[sflag:s11] =	ssyncset.done $0x0  }
0x130: {  	s20 =	rddreg [dreg:$0x11];
	[sflag:s11] =	ssyncadd.s32 $0xFFFF9000  }
0x131: {  	[tilespmem:s15], [sflag:$0x3] =	stream.linear.gather [hbm4b:s20+s1], $0x7000, $0x38;
	[tilespmem:$0x1EC80] =	vst v63  }
0x132: {  	_ =	swait.ge [sflag:s16], $0x7000  }
0x133: {  	[sflag:s16] =	ssyncset.done $0x0  }
0x134: {  	s20 =	rddreg [dreg:$0x12];
	[sflag:s16] =	ssyncadd.s32 $0xFFFF9000  }
0x135: {  	[hbm4b:s20+s1] =	stream.linear.scatter [tilespmem:s13], [sflag:$0xC], $0x7000, $0x38;
	[tilespmem:$0x1EC80] =	vst v63  }
0x136: {  	_ =	swait.ge [sflag:s10], $0x7000  }
0x137: {  	s20 =	sld [smem:$0x7FB]  }
0x138: {  	[sflag:s10] =	ssyncset.done $0x0  }
0x139: {  	[sflag:s10] =	ssyncadd.s32 $0xFFFF9000  }
0x13a: {  	[tilespmem:s3], [sflag:$0x6] =	stream.indirect.gather.add.f32 [spmem:s2], $0x80, s20, s7, $0xb8;
	[tilespmem:$0x1EC80] =	vst v63  }
0x13b: {  	_ =	swait.ge [sflag:s12], $0x7000  }
0x13c: {  	[sflag:s12] =	ssyncset.done $0x0  }
0x13d: {  	s20 =	rddreg [dreg:$0x13];
	[sflag:s12] =	ssyncadd.s32 $0xFFFF9000  }
0x13e: {  	[tilespmem:s13], [sflag:$0x4] =	stream.linear.gather [hbm4b:s20+s1], $0x7000, $0x38;
	[tilespmem:$0x1EC80] =	vst v63  }
0x13f: {  	_ =	swait.ge [sflag:s8], $0x7000  }
0x140: {  	[sflag:s8] =	ssyncset.done $0x0  }
0x141: {  	s20 =	rddreg [dreg:$0x14];
	[sflag:s8] =	ssyncadd.s32 $0xFFFF9000  }
0x142: {  	[hbm4b:s20+s1] =	stream.linear.scatter [tilespmem:s5], [sflag:$0x9], $0x7000, $0x38;
	[tilespmem:$0x1EC80] =	vst v63  }
0x143: {  	_ =	swait.ge [sflag:s21], $0x7000  }
0x144: {  	s20 =	sld [smem:$0x7FC]  }
0x145: {  	[sflag:s21] =	ssyncset.done $0x0  }
0x146: {  	[sflag:s21] =	ssyncadd.s32 $0xFFFF9000  }
0x147: {  	[tilespmem:s15], [sflag:$0x7] =	stream.indirect.gather.add.f32 [spmem:s2], $0x80, s20, s7, $0xb8;
	[tilespmem:$0x1EC80] =	vst v63  }
0x148: {  	_ =	swait.ge [sflag:s4], $0x7000  }
0x149: {  	[sflag:s4] =	ssyncset.done $0x0  }
0x14a: {  	s20 =	rddreg [dreg:$0x15];
	[sflag:s4] =	ssyncadd.s32 $0xFFFF9000  }
0x14b: {  	[tilespmem:s5], [sflag:$0x1] =	stream.linear.gather [hbm4b:s20+s1], $0x7000, $0x38;
	[tilespmem:$0x1EC80] =	vst v63  }
0x14c: {  	_ =	swait.ge [sflag:s9], $0x7000  }
0x14d: {  	[sflag:s9] =	ssyncset.done $0x0  }
0x14e: {  	s20 =	rddreg [dreg:$0x16];
	[sflag:s9] =	ssyncadd.s32 $0xFFFF9000  }
0x14f: {  	[hbm4b:s20+s1] =	stream.linear.scatter [tilespmem:s3], [sflag:$0xA], $0x7000, $0x38;
	[tilespmem:$0x1EC80] =	vst v63  }
0x150: {  	_ =	swait.ge [sflag:s19], $0x7000  }
0x151: {  	s20 =	sld [smem:$0x7FD]  }
0x152: {  	[sflag:s19] =	ssyncset.done $0x0  }
0x153: {  	[sflag:s19] =	ssyncadd.s32 $0xFFFF9000  }
0x154: {  	[tilespmem:s13], [sflag:$0x8] =	stream.indirect.gather.add.f32 [spmem:s2], $0x80, s20, s7, $0xb8;
	[tilespmem:$0x1EC80] =	vst v63  }
0x155: {  	_ =	swait.ge [sflag:s6], $0x7000  }
0x156: {  	[sflag:s6] =	ssyncset.done $0x0  }
0x157: {  	s20 =	rddreg [dreg:$0x17];
	[sflag:s6] =	ssyncadd.s32 $0xFFFF9000  }
0x158: {  	[tilespmem:s3], [sflag:$0x2] =	stream.linear.gather [hbm4b:s20+s1], $0x7000, $0x38;
	[tilespmem:$0x1EC80] =	vst v63  }
0x159: {  	_ =	swait.ge [sflag:s17], $0x7000  }
0x15a: {  	[sflag:s17] =	ssyncset.done $0x0  }
0x15b: {  	s20 =	rddreg [dreg:$0x18];
	[sflag:s17] =	ssyncadd.s32 $0xFFFF9000  }
0x15c: {  	[hbm4b:s20+s1] =	stream.linear.scatter [tilespmem:s15], [sflag:$0xB], $0x7000, $0x38;
	[tilespmem:$0x1EC80] =	vst v63  }
0x15d: {  	_ =	swait.ge [sflag:s14], $0x7000  }
0x15e: {  	[sflag:s14] =	ssyncset.done $0x0  }
0x15f: {  	[sflag:s14] =	ssyncadd.s32 $0xFFFF9000  }
0x160: {  	[tilespmem:s5], [sflag:$0x5] =	stream.indirect.gather.add.f32 [spmem:s2], $0x80, s22, s7, $0xb8;
	[tilespmem:$0x1EC80] =	vst v63  }
0x161: {  	_ =	swait.ge [sflag:s11], $0x7000  }
0x162: {  	[sflag:s11] =	ssyncset.done $0x0  }
0x163: {  	s20 =	rddreg [dreg:$0x19];
	[sflag:s11] =	ssyncadd.s32 $0xFFFF9000  }
0x164: {  	[tilespmem:s15], [sflag:$0x3] =	stream.linear.gather [hbm4b:s20+s1], $0x7000, $0x38;
	[tilespmem:$0x1EC80] =	vst v63  }
0x165: {  	_ =	swait.ge [sflag:s16], $0x7000  }
0x166: {  	[sflag:s16] =	ssyncset.done $0x0  }
0x167: {  	s20 =	rddreg [dreg:$0x1a];
	[sflag:s16] =	ssyncadd.s32 $0xFFFF9000  }
0x168: {  	[hbm4b:s20+s1] =	stream.linear.scatter [tilespmem:s13], [sflag:$0xC], $0x7000, $0x38;
	[tilespmem:$0x1EC80] =	vst v63  }
0x169: {  	_ =	swait.ge [sflag:s10], $0x7000  }
0x16a: {  	[sflag:s10] =	ssyncset.done $0x0  }
0x16b: {  	[sflag:s10] =	ssyncadd.s32 $0xFFFF9000  }
0x16c: {  	[tilespmem:s3], [sflag:$0x6] =	stream.indirect.gather.add.f32 [spmem:s2], $0x80, s29, s7, $0xb8;
	[tilespmem:$0x1EC80] =	vst v63  }
0x16d: {  	_ =	swait.ge [sflag:s12], $0x7000  }
0x16e: {  	[sflag:s12] =	ssyncset.done $0x0  }
0x16f: {  	s20 =	rddreg [dreg:$0x1b];
	[sflag:s12] =	ssyncadd.s32 $0xFFFF9000  }
0x170: {  	[tilespmem:s13], [sflag:$0x4] =	stream.linear.gather [hbm4b:s20+s1], $0x7000, $0x38;
	[tilespmem:$0x1EC80] =	vst v63  }
0x171: {  	_ =	swait.ge [sflag:s8], $0x7000  }
0x172: {  	[sflag:s8] =	ssyncset.done $0x0  }
0x173: {  	s20 =	rddreg [dreg:$0x1c];
	[sflag:s8] =	ssyncadd.s32 $0xFFFF9000  }
0x174: {  	[hbm4b:s20+s1] =	stream.linear.scatter [tilespmem:s5], [sflag:$0x9], $0x7000, $0x38;
	[tilespmem:$0x1EC80] =	vst v63  }
0x175: {  	_ =	swait.ge [sflag:s21], $0x7000  }
0x176: {  	[sflag:s21] =	ssyncset.done $0x0  }
0x177: {  	[sflag:s21] =	ssyncadd.s32 $0xFFFF9000  }
0x178: {  	[tilespmem:s15], [sflag:$0x7] =	stream.indirect.gather.add.f32 [spmem:s2], $0x80, s25, s7, $0xb8;
	[tilespmem:$0x1EC80] =	vst v63  }
0x179: {  	_ =	swait.ge [sflag:s4], $0x7000  }
0x17a: {  	[sflag:s4] =	ssyncset.done $0x0  }
0x17b: {  	s20 =	rddreg [dreg:$0x1d];
	[sflag:s4] =	ssyncadd.s32 $0xFFFF9000  }
0x17c: {  	[tilespmem:s5], [sflag:$0x1] =	stream.linear.gather [hbm4b:s20+s1], $0x7000, $0x38;
	[tilespmem:$0x1EC80] =	vst v63  }
0x17d: {  	_ =	swait.ge [sflag:s9], $0x7000  }
0x17e: {  	[sflag:s9] =	ssyncset.done $0x0  }
0x17f: {  	s20 =	rddreg [dreg:$0x1e];
	[sflag:s9] =	ssyncadd.s32 $0xFFFF9000  }
0x180: {  	[hbm4b:s20+s1] =	stream.linear.scatter [tilespmem:s3], [sflag:$0xA], $0x7000, $0x38;
	[tilespmem:$0x1EC80] =	vst v63  }
0x181: {  	_ =	swait.ge [sflag:s19], $0x7000  }
0x182: {  	[sflag:s19] =	ssyncset.done $0x0  }
0x183: {  	[sflag:s19] =	ssyncadd.s32 $0xFFFF9000  }
0x184: {  	[tilespmem:s13], [sflag:$0x8] =	stream.indirect.gather.add.f32 [spmem:s2], $0x80, s24, s7, $0xb8;
	[tilespmem:$0x1EC80] =	vst v63  }
0x185: {  	_ =	swait.ge [sflag:s6], $0x7000  }
0x186: {  	[sflag:s6] =	ssyncset.done $0x0  }
0x187: {  	s20 =	rddreg [dreg:$0x1f];
	[sflag:s6] =	ssyncadd.s32 $0xFFFF9000  }
0x188: {  	[tilespmem:s3], [sflag:$0x2] =	stream.linear.gather [hbm4b:s20+s1], $0x7000, $0x38;
	[tilespmem:$0x1EC80] =	vst v63  }
0x189: {  	_ =	swait.ge [sflag:s17], $0x7000  }
0x18a: {  	s20 =	sld [smem:$0x7F4]  }
0x18b: {  	[sflag:s17] =	ssyncset.done $0x0  }
0x18c: {  	[sflag:s17] =	ssyncadd.s32 $0xFFFF9000  }
0x18d: {  	[hbm4b:s20+s1] =	stream.linear.scatter [tilespmem:s15], [sflag:$0xB], $0x7000, $0x38;
	[tilespmem:$0x1EC80] =	vst v63  }
0x18e: {  	_ =	swait.ge [sflag:s14], $0x7000  }
0x18f: {  	[sflag:s14] =	ssyncset.done $0x0  }
0x190: {  	[sflag:s14] =	ssyncadd.s32 $0xFFFF9000  }
0x191: {  	[tilespmem:s5], [sflag:$0x5] =	stream.indirect.gather.add.f32 [spmem:s2], $0x80, s23, s7, $0xb8;
	[tilespmem:$0x1EC80] =	vst v63  }
0x192: {  	_ =	swait.ge [sflag:s16], $0x7000  }
0x193: {  	s20 =	sld [smem:$0x7F5]  }
0x194: {  	[sflag:s16] =	ssyncset.done $0x0  }
0x195: {  	[sflag:s16] =	ssyncadd.s32 $0xFFFF9000  }
0x196: {  	[hbm4b:s20+s1] =	stream.linear.scatter [tilespmem:s13], [sflag:$0xC], $0x7000, $0x38;
	[tilespmem:$0x1EC80] =	vst v63  }
0x197: {  	_ =	swait.ge [sflag:s10], $0x7000  }
0x198: {  	[sflag:s10] =	ssyncset.done $0x0  }
0x199: {  	s18 =	simm.s32 $0xB60;
	[sflag:s10] =	ssyncadd.s32 $0xFFFF9000  }
0x19a: {  	[tilespmem:s3], [sflag:$0x6] =	stream.indirect.gather.add.f32 [spmem:s2], $0x80, s18, s7, $0xb8;
	[tilespmem:$0x1EC80] =	vst v63  }
0x19b: {  	_ =	swait.ge [sflag:s8], $0x7000  }
0x19c: {  	s18 =	sld [smem:$0x7F6]  }
0x19d: {  	[sflag:s8] =	ssyncset.done $0x0  }
0x19e: {  	[sflag:s8] =	ssyncadd.s32 $0xFFFF9000  }
0x19f: {  	[hbm4b:s18+s1] =	stream.linear.scatter [tilespmem:s5], [sflag:$0x9], $0x7000, $0x38;
	[tilespmem:$0x1EC80] =	vst v63  }
0x1a0: {  	_ =	swait.ge [sflag:s9], $0x7000  }
0x1a1: {  	s20 =	sld [smem:$0x7F7]  }
0x1a2: {  	[sflag:s9] =	ssyncset.done $0x0  }
0x1a3: {  	[sflag:s9] =	ssyncadd.s32 $0xFFFF9000  }
0x1a4: {  	[hbm4b:s20+s1] =	stream.linear.scatter [tilespmem:s3], [sflag:$0xA], $0x7000, $0x38;
	[tilespmem:$0x1EC80] =	vst v63  }
0x1a5: {  	_ =	swait.ge [sflag:s11], $0x7000  }
0x1a6: {  	[sflag:s11] =	ssyncset.done $0x0  }
0x1a7: {  	[sflag:s11] =	ssyncadd.s32 $0xFFFF9000  }
0x1a8: {  	_ =	swait.ge [sflag:s12], $0x7000  }
0x1a9: {  	s31 =	sadd.s32 $0xFFFFFFFF, s31;
	[sflag:s12] =	ssyncset.done $0x0  }
0x1aa: {  	p2 =	sne.s32 s31, $0x0;
	[sflag:s12] =	ssyncadd.s32 $0xFFFF9000  }
.Ltmp2:
0x1ab: {  	_ =	swait.ge [sflag:s4], $0x7000;
	(pc) =	sbr.rel @p2 .LBB2_4-.Ltmp2, $4  }
0x1ac: {  	[sflag:s4] =	ssyncset.done $0x0  }
0x1ad: {  	[sflag:s4] =	ssyncadd.s32 $0xFFFF9000  }
0x1ae: {  	_ =	swait.ge [sflag:s6], $0x7000  }
0x1af: {  	s0 =	rddreg [dreg:$0x7];
	[sflag:s6] =	ssyncset.done $0x0  }
0x1b0: {  	s29 =	simm.s32 $0xB60  }
0x1b1: {  	s20 =	rddreg [dreg:$0x5];
	s22 =	simm.s32 $0xA80;
	s23 =	simm.s32 $0x9A0  }
0x1b2: {  	s24 =	simm.s32 $0x8C0;
	s25 =	simm.s32 $0x7E0;
	s30 =	simm.s32 $0x700  }
.LBB2_6:
0x1b3: {  	[sflag:s6] =	ssyncadd.s32 @p1 $0xFFFF9000;
	s18 =	rddreg [dreg:$0x8]  }
0x1b4: {  	[tilespmem:s5], [sflag:$0x1] =	stream.linear.gather [hbm4b:s0+s1], $0x7000, $0x38;
	[tilespmem:$0x1EC80] =	vst v63  }
0x1b5: {  	s31 =	rddreg [dreg:$0x9]  }
0x1b6: {  	[tilespmem:s3], [sflag:$0x2] =	stream.linear.gather [hbm4b:s18+s1], $0x7000, $0x38;
	[tilespmem:$0x1EC80] =	vst v63  }
0x1b7: {  	s0 =	simm.s32 @!p0 $0x1C0E;
	s18 =	rddreg [dreg:$0x6]  }
0x1b8: {  	[tilespmem:s1], [sflag:$0xD] =	stream.linear.gather [hbm4b:s31+s1], $0xC40, $0x38;
	[tilespmem:$0x1EC80] =	vst v63  }
0x1b9: {  	[spmem:s28], [sflag:s0] =	dma.local @!p0 [hbm:s18], $0x4000  }
0x1ba: {  	s0 =	simm.s32 @!p0 $0xE  }
0x1bb: {  	_ =	swait.ge @!p0 [sflag:s0], $0x4000  }
0x1bc: {  	[sflag:s0] =	ssyncset.done @!p0 $0x0  }
0x1bd: {  	[sflag:s0] =	ssyncadd.s32 @!p0 $0xFFFFC000  }
0x1be: {  	_ =	swait.ge [sflag:s26], $0xC40  }
0x1bf: {  	[sflag:s26] =	ssyncset.done $0x0  }
0x1c0: {  	[sflag:s26] =	ssyncadd.s32 $0xFFFFF3C0  }
0x1c1: {  	[bflag:$0x0] =	sbarrier.arrive $0xFFFF  }
0x1c2: {  	_ =	swait.ge [sflag:s14], $0x7000  }
0x1c3: {  	[sflag:s14] =	ssyncset.done $0x0  }
0x1c4: {  	[sflag:s14] =	ssyncadd.s32 $0xFFFF9000  }
0x1c5: {  	[tilespmem:s5], [sflag:$0x5] =	stream.indirect.gather.add.f32 [spmem:s2], $0x80, s1, s7, $0xb8;
	[tilespmem:$0x1EC80] =	vst v63  }
0x1c6: {  	s26 =	rddreg [dreg:$0xa]  }
0x1c7: {  	[tilespmem:s15], [sflag:$0x3] =	stream.linear.gather [hbm4b:s26+s1], $0x7000, $0x38;
	[tilespmem:$0x1EC80] =	vst v63  }
0x1c8: {  	_ =	swait.ge [sflag:s10], $0x7000  }
0x1c9: {  	[sflag:s10] =	ssyncset.done $0x0  }
0x1ca: {  	[sflag:s10] =	ssyncadd.s32 $0xFFFF9000  }
0x1cb: {  	[tilespmem:s3], [sflag:$0x6] =	stream.indirect.gather.add.f32 [spmem:s2], $0x80, s7, s7, $0xb8;
	[tilespmem:$0x1EC80] =	vst v63  }
0x1cc: {  	s28 =	rddreg [dreg:$0xb]  }
0x1cd: {  	[tilespmem:s13], [sflag:$0x4] =	stream.linear.gather [hbm4b:s28+s1], $0x7000, $0x38;
	[tilespmem:$0x1EC80] =	vst v63  }
0x1ce: {  	_ =	swait.ge [sflag:s8], $0x7000  }
0x1cf: {  	[sflag:s8] =	ssyncset.done $0x0  }
0x1d0: {  	s31 =	rddreg [dreg:$0xc];
	[sflag:s8] =	ssyncadd.s32 $0xFFFF9000  }
0x1d1: {  	[hbm4b:s31+s1] =	stream.linear.scatter [tilespmem:s5], [sflag:$0x9], $0x7000, $0x38;
	[tilespmem:$0x1EC80] =	vst v63  }
0x1d2: {  	_ =	swait.ge [sflag:s21], $0x7000  }
0x1d3: {  	s18 =	sld [smem:$0x7F8]  }
0x1d4: {  	[sflag:s21] =	ssyncset.done $0x0  }
0x1d5: {  	[sflag:s21] =	ssyncadd.s32 $0xFFFF9000  }
0x1d6: {  	[tilespmem:s15], [sflag:$0x7] =	stream.indirect.gather.add.f32 [spmem:s2], $0x80, s18, s7, $0xb8;
	[tilespmem:$0x1EC80] =	vst v63  }
0x1d7: {  	_ =	swait.ge [sflag:s4], $0x7000  }
0x1d8: {  	[sflag:s4] =	ssyncset.done $0x0  }
0x1d9: {  	s26 =	rddreg [dreg:$0xd];
	[sflag:s4] =	ssyncadd.s32 $0xFFFF9000  }
0x1da: {  	[tilespmem:s5], [sflag:$0x1] =	stream.linear.gather [hbm4b:s26+s1], $0x7000, $0x38;
	[tilespmem:$0x1EC80] =	vst v63  }
0x1db: {  	_ =	swait.ge [sflag:s9], $0x7000  }
0x1dc: {  	[sflag:s9] =	ssyncset.done $0x0  }
0x1dd: {  	s28 =	rddreg [dreg:$0xe];
	[sflag:s9] =	ssyncadd.s32 $0xFFFF9000  }
0x1de: {  	[hbm4b:s28+s1] =	stream.linear.scatter [tilespmem:s3], [sflag:$0xA], $0x7000, $0x38;
	[tilespmem:$0x1EC80] =	vst v63  }
0x1df: {  	_ =	swait.ge [sflag:s19], $0x7000  }
0x1e0: {  	s31 =	sld [smem:$0x7F9]  }
0x1e1: {  	[sflag:s19] =	ssyncset.done $0x0  }
0x1e2: {  	[sflag:s19] =	ssyncadd.s32 $0xFFFF9000  }
0x1e3: {  	[tilespmem:s13], [sflag:$0x8] =	stream.indirect.gather.add.f32 [spmem:s2], $0x80, s31, s7, $0xb8;
	[tilespmem:$0x1EC80] =	vst v63  }
0x1e4: {  	_ =	swait.ge [sflag:s6], $0x7000  }
0x1e5: {  	[sflag:s6] =	ssyncset.done $0x0  }
0x1e6: {  	s18 =	rddreg [dreg:$0xf];
	[sflag:s6] =	ssyncadd.s32 $0xFFFF9000  }
0x1e7: {  	[tilespmem:s3], [sflag:$0x2] =	stream.linear.gather [hbm4b:s18+s1], $0x7000, $0x38;
	[tilespmem:$0x1EC80] =	vst v63  }
0x1e8: {  	_ =	swait.ge [sflag:s17], $0x7000  }
0x1e9: {  	[sflag:s17] =	ssyncset.done $0x0  }
0x1ea: {  	s26 =	rddreg [dreg:$0x10];
	[sflag:s17] =	ssyncadd.s32 $0xFFFF9000  }
0x1eb: {  	[hbm4b:s26+s1] =	stream.linear.scatter [tilespmem:s15], [sflag:$0xB], $0x7000, $0x38;
	[tilespmem:$0x1EC80] =	vst v63  }
0x1ec: {  	_ =	swait.ge [sflag:s14], $0x7000  }
0x1ed: {  	s28 =	sld [smem:$0x7FA]  }
0x1ee: {  	[sflag:s14] =	ssyncset.done $0x0  }
0x1ef: {  	[sflag:s14] =	ssyncadd.s32 $0xFFFF9000  }
0x1f0: {  	[tilespmem:s5], [sflag:$0x5] =	stream.indirect.gather.add.f32 [spmem:s2], $0x80, s28, s7, $0xb8;
	[tilespmem:$0x1EC80] =	vst v63  }
0x1f1: {  	_ =	swait.ge [sflag:s11], $0x7000  }
0x1f2: {  	[sflag:s11] =	ssyncset.done $0x0  }
0x1f3: {  	s31 =	rddreg [dreg:$0x11];
	[sflag:s11] =	ssyncadd.s32 $0xFFFF9000  }
0x1f4: {  	[tilespmem:s15], [sflag:$0x3] =	stream.linear.gather [hbm4b:s31+s1], $0x7000, $0x38;
	[tilespmem:$0x1EC80] =	vst v63  }
0x1f5: {  	_ =	swait.ge [sflag:s16], $0x7000  }
0x1f6: {  	[sflag:s16] =	ssyncset.done $0x0  }
0x1f7: {  	s18 =	rddreg [dreg:$0x12];
	[sflag:s16] =	ssyncadd.s32 $0xFFFF9000  }
0x1f8: {  	[hbm4b:s18+s1] =	stream.linear.scatter [tilespmem:s13], [sflag:$0xC], $0x7000, $0x38;
	[tilespmem:$0x1EC80] =	vst v63  }
0x1f9: {  	_ =	swait.ge [sflag:s10], $0x7000  }
0x1fa: {  	s26 =	sld [smem:$0x7FB]  }
0x1fb: {  	[sflag:s10] =	ssyncset.done $0x0  }
0x1fc: {  	[sflag:s10] =	ssyncadd.s32 $0xFFFF9000  }
0x1fd: {  	[tilespmem:s3], [sflag:$0x6] =	stream.indirect.gather.add.f32 [spmem:s2], $0x80, s26, s7, $0xb8;
	[tilespmem:$0x1EC80] =	vst v63  }
0x1fe: {  	_ =	swait.ge [sflag:s12], $0x7000  }
0x1ff: {  	[sflag:s12] =	ssyncset.done $0x0  }
0x200: {  	s28 =	rddreg [dreg:$0x13];
	[sflag:s12] =	ssyncadd.s32 $0xFFFF9000  }
0x201: {  	[tilespmem:s13], [sflag:$0x4] =	stream.linear.gather [hbm4b:s28+s1], $0x7000, $0x38;
	[tilespmem:$0x1EC80] =	vst v63  }
0x202: {  	_ =	swait.ge [sflag:s8], $0x7000  }
0x203: {  	[sflag:s8] =	ssyncset.done $0x0  }
0x204: {  	s31 =	rddreg [dreg:$0x14];
	[sflag:s8] =	ssyncadd.s32 $0xFFFF9000  }
0x205: {  	[hbm4b:s31+s1] =	stream.linear.scatter [tilespmem:s5], [sflag:$0x9], $0x7000, $0x38;
	[tilespmem:$0x1EC80] =	vst v63  }
0x206: {  	_ =	swait.ge [sflag:s21], $0x7000  }
0x207: {  	s18 =	sld [smem:$0x7FC]  }
0x208: {  	[sflag:s21] =	ssyncset.done $0x0  }
0x209: {  	[sflag:s21] =	ssyncadd.s32 $0xFFFF9000  }
0x20a: {  	[tilespmem:s15], [sflag:$0x7] =	stream.indirect.gather.add.f32 [spmem:s2], $0x80, s18, s7, $0xb8;
	[tilespmem:$0x1EC80] =	vst v63  }
0x20b: {  	_ =	swait.ge [sflag:s4], $0x7000  }
0x20c: {  	[sflag:s4] =	ssyncset.done $0x0  }
0x20d: {  	s26 =	rddreg [dreg:$0x15];
	[sflag:s4] =	ssyncadd.s32 $0xFFFF9000  }
0x20e: {  	[tilespmem:s5], [sflag:$0x1] =	stream.linear.gather [hbm4b:s26+s1], $0x7000, $0x38;
	[tilespmem:$0x1EC80] =	vst v63  }
0x20f: {  	_ =	swait.ge [sflag:s9], $0x7000  }
0x210: {  	[sflag:s9] =	ssyncset.done $0x0  }
0x211: {  	s28 =	rddreg [dreg:$0x16];
	[sflag:s9] =	ssyncadd.s32 $0xFFFF9000  }
0x212: {  	[hbm4b:s28+s1] =	stream.linear.scatter [tilespmem:s3], [sflag:$0xA], $0x7000, $0x38;
	[tilespmem:$0x1EC80] =	vst v63  }
0x213: {  	_ =	swait.ge [sflag:s19], $0x7000  }
0x214: {  	s31 =	sld [smem:$0x7FD]  }
0x215: {  	[sflag:s19] =	ssyncset.done $0x0  }
0x216: {  	[sflag:s19] =	ssyncadd.s32 $0xFFFF9000  }
0x217: {  	[tilespmem:s13], [sflag:$0x8] =	stream.indirect.gather.add.f32 [spmem:s2], $0x80, s31, s7, $0xb8;
	[tilespmem:$0x1EC80] =	vst v63  }
0x218: {  	_ =	swait.ge [sflag:s6], $0x7000  }
0x219: {  	[sflag:s6] =	ssyncset.done $0x0  }
0x21a: {  	s18 =	rddreg [dreg:$0x17];
	[sflag:s6] =	ssyncadd.s32 $0xFFFF9000  }
0x21b: {  	[tilespmem:s3], [sflag:$0x2] =	stream.linear.gather [hbm4b:s18+s1], $0x7000, $0x38;
	[tilespmem:$0x1EC80] =	vst v63  }
0x21c: {  	_ =	swait.ge [sflag:s17], $0x7000  }
0x21d: {  	[sflag:s17] =	ssyncset.done $0x0  }
0x21e: {  	s26 =	rddreg [dreg:$0x18];
	[sflag:s17] =	ssyncadd.s32 $0xFFFF9000  }
0x21f: {  	[hbm4b:s26+s1] =	stream.linear.scatter [tilespmem:s15], [sflag:$0xB], $0x7000, $0x38;
	[tilespmem:$0x1EC80] =	vst v63  }
0x220: {  	_ =	swait.ge [sflag:s14], $0x7000  }
0x221: {  	[sflag:s14] =	ssyncset.done $0x0  }
0x222: {  	[sflag:s14] =	ssyncadd.s32 $0xFFFF9000  }
0x223: {  	[tilespmem:s5], [sflag:$0x5] =	stream.indirect.gather.add.f32 [spmem:s2], $0x80, s30, s7, $0xb8;
	[tilespmem:$0x1EC80] =	vst v63  }
0x224: {  	_ =	swait.ge [sflag:s11], $0x7000  }
0x225: {  	[sflag:s11] =	ssyncset.done $0x0  }
0x226: {  	s28 =	rddreg [dreg:$0x19];
	[sflag:s11] =	ssyncadd.s32 $0xFFFF9000  }
0x227: {  	[tilespmem:s15], [sflag:$0x3] =	stream.linear.gather [hbm4b:s28+s1], $0x7000, $0x38;
	[tilespmem:$0x1EC80] =	vst v63  }
0x228: {  	_ =	swait.ge [sflag:s16], $0x7000  }
0x229: {  	[sflag:s16] =	ssyncset.done $0x0  }
0x22a: {  	s30 =	rddreg [dreg:$0x1a];
	[sflag:s16] =	ssyncadd.s32 $0xFFFF9000  }
0x22b: {  	[hbm4b:s30+s1] =	stream.linear.scatter [tilespmem:s13], [sflag:$0xC], $0x7000, $0x38;
	[tilespmem:$0x1EC80] =	vst v63  }
0x22c: {  	_ =	swait.ge [sflag:s10], $0x7000  }
0x22d: {  	[sflag:s10] =	ssyncset.done $0x0  }
0x22e: {  	[sflag:s10] =	ssyncadd.s32 $0xFFFF9000  }
0x22f: {  	[tilespmem:s3], [sflag:$0x6] =	stream.indirect.gather.add.f32 [spmem:s2], $0x80, s25, s7, $0xb8;
	[tilespmem:$0x1EC80] =	vst v63  }
0x230: {  	_ =	swait.ge [sflag:s12], $0x7000  }
0x231: {  	[sflag:s12] =	ssyncset.done $0x0  }
0x232: {  	s31 =	rddreg [dreg:$0x1b];
	[sflag:s12] =	ssyncadd.s32 $0xFFFF9000  }
0x233: {  	[tilespmem:s13], [sflag:$0x4] =	stream.linear.gather [hbm4b:s31+s1], $0x7000, $0x38;
	[tilespmem:$0x1EC80] =	vst v63  }
0x234: {  	_ =	swait.ge [sflag:s8], $0x7000  }
0x235: {  	[sflag:s8] =	ssyncset.done $0x0  }
0x236: {  	s18 =	rddreg [dreg:$0x1c];
	[sflag:s8] =	ssyncadd.s32 $0xFFFF9000  }
0x237: {  	[hbm4b:s18+s1] =	stream.linear.scatter [tilespmem:s5], [sflag:$0x9], $0x7000, $0x38;
	[tilespmem:$0x1EC80] =	vst v63  }
0x238: {  	_ =	swait.ge [sflag:s21], $0x7000  }
0x239: {  	[sflag:s21] =	ssyncset.done $0x0  }
0x23a: {  	[sflag:s21] =	ssyncadd.s32 $0xFFFF9000  }
0x23b: {  	[tilespmem:s15], [sflag:$0x7] =	stream.indirect.gather.add.f32 [spmem:s2], $0x80, s24, s7, $0xb8;
	[tilespmem:$0x1EC80] =	vst v63  }
0x23c: {  	_ =	swait.ge [sflag:s4], $0x7000  }
0x23d: {  	[sflag:s4] =	ssyncset.done $0x0  }
0x23e: {  	s21 =	rddreg [dreg:$0x1d];
	[sflag:s4] =	ssyncadd.s32 $0xFFFF9000  }
0x23f: {  	[tilespmem:s5], [sflag:$0x1] =	stream.linear.gather [hbm4b:s21+s1], $0x7000, $0x38;
	[tilespmem:$0x1EC80] =	vst v63  }
0x240: {  	_ =	swait.ge [sflag:s9], $0x7000  }
0x241: {  	[sflag:s9] =	ssyncset.done $0x0  }
0x242: {  	s24 =	rddreg [dreg:$0x1e];
	[sflag:s9] =	ssyncadd.s32 $0xFFFF9000  }
0x243: {  	[hbm4b:s24+s1] =	stream.linear.scatter [tilespmem:s3], [sflag:$0xA], $0x7000, $0x38;
	[tilespmem:$0x1EC80] =	vst v63  }
0x244: {  	_ =	swait.ge [sflag:s19], $0x7000  }
0x245: {  	[sflag:s19] =	ssyncset.done $0x0  }
0x246: {  	[sflag:s19] =	ssyncadd.s32 $0xFFFF9000  }
0x247: {  	[tilespmem:s13], [sflag:$0x8] =	stream.indirect.gather.add.f32 [spmem:s2], $0x80, s23, s7, $0xb8;
	[tilespmem:$0x1EC80] =	vst v63  }
0x248: {  	_ =	swait.ge [sflag:s6], $0x7000  }
0x249: {  	[sflag:s6] =	ssyncset.done $0x0  }
0x24a: {  	s25 =	rddreg [dreg:$0x1f];
	[sflag:s6] =	ssyncadd.s32 $0xFFFF9000  }
0x24b: {  	[tilespmem:s3], [sflag:$0x2] =	stream.linear.gather [hbm4b:s25+s1], $0x7000, $0x38;
	[tilespmem:$0x1EC80] =	vst v63  }
0x24c: {  	_ =	swait.ge [sflag:s17], $0x7000  }
0x24d: {  	s26 =	sld [smem:$0x7F4]  }
0x24e: {  	[sflag:s17] =	ssyncset.done $0x0  }
0x24f: {  	[sflag:s17] =	ssyncadd.s32 $0xFFFF9000  }
0x250: {  	[hbm4b:s26+s1] =	stream.linear.scatter [tilespmem:s15], [sflag:$0xB], $0x7000, $0x38;
	[tilespmem:$0x1EC80] =	vst v63  }
0x251: {  	_ =	swait.ge [sflag:s14], $0x7000  }
0x252: {  	[sflag:s14] =	ssyncset.done $0x0  }
0x253: {  	[sflag:s14] =	ssyncadd.s32 $0xFFFF9000  }
0x254: {  	[tilespmem:s5], [sflag:$0x5] =	stream.indirect.gather.add.f32 [spmem:s2], $0x80, s22, s7, $0xb8;
	[tilespmem:$0x1EC80] =	vst v63  }
0x255: {  	_ =	swait.ge [sflag:s16], $0x7000  }
0x256: {  	s28 =	sld [smem:$0x7F5]  }
0x257: {  	[sflag:s16] =	ssyncset.done $0x0  }
0x258: {  	[sflag:s16] =	ssyncadd.s32 $0xFFFF9000  }
0x259: {  	[hbm4b:s28+s1] =	stream.linear.scatter [tilespmem:s13], [sflag:$0xC], $0x7000, $0x38;
	[tilespmem:$0x1EC80] =	vst v63  }
0x25a: {  	_ =	swait.ge [sflag:s10], $0x7000  }
0x25b: {  	[sflag:s10] =	ssyncset.done $0x0  }
0x25c: {  	[sflag:s10] =	ssyncadd.s32 $0xFFFF9000  }
0x25d: {  	[tilespmem:s3], [sflag:$0x6] =	stream.indirect.gather.add.f32 [spmem:s2], $0x80, s29, s7, $0xb8;
	[tilespmem:$0x1EC80] =	vst v63  }
0x25e: {  	_ =	swait.ge [sflag:s8], $0x7000  }
0x25f: {  	s30 =	sld [smem:$0x7F6]  }
0x260: {  	[sflag:s8] =	ssyncset.done $0x0  }
0x261: {  	[sflag:s8] =	ssyncadd.s32 $0xFFFF9000  }
0x262: {  	[hbm4b:s30+s1] =	stream.linear.scatter [tilespmem:s5], [sflag:$0x9], $0x7000, $0x38;
	[tilespmem:$0x1EC80] =	vst v63  }
0x263: {  	_ =	swait.ge [sflag:s9], $0x7000  }
0x264: {  	s31 =	sld [smem:$0x7F7]  }
0x265: {  	[sflag:s9] =	ssyncset.done $0x0  }
0x266: {  	[sflag:s9] =	ssyncadd.s32 $0xFFFF9000  }
0x267: {  	[hbm4b:s31+s1] =	stream.linear.scatter [tilespmem:s3], [sflag:$0xA], $0x7000, $0x38;
	[tilespmem:$0x1EC80] =	vst v63  }
0x268: {  	_ =	swait.ge [sflag:s11], $0x7000  }
0x269: {  	[sflag:s11] =	ssyncset.done $0x0  }
0x26a: {  	[sflag:s11] =	ssyncadd.s32 $0xFFFF9000  }
0x26b: {  	_ =	swait.ge [sflag:s12], $0x7000  }
0x26c: {  	[sflag:s12] =	ssyncset.done $0x0  }
0x26d: {  	[sflag:s12] =	ssyncadd.s32 $0xFFFF9000  }
0x26e: {  	_ =	swait.ge [sflag:s4], $0x7000  }
0x26f: {  	[sflag:s4] =	ssyncset.done $0x0  }
0x270: {  	[sflag:s4] =	ssyncadd.s32 $0xFFFF9000  }
0x271: {  	_ =	swait.ge [sflag:s6], $0x7000  }
0x272: {  	[sflag:s6] =	ssyncset.done $0x0  }
0x273: {  	[sflag:s6] =	ssyncadd.s32 $0xFFFF9000  }
0x274: {  	_ =	sfence.sel $0x180000  }
0x275: {  	[bflag:$0x0] =	sbarrier.arrive $0xFFFF  }
0x276: {  	_ =	strace $0x90000047  }
0x277: {  	s0 =	sadd.s32 @!p0 $0x100000, s20;
	[bflag:$0x2] =	sbarrier.arrive $0xFFFF  }
0x278: {  	[sflag:s0] =	ssyncadd.tile.s32 @!p0 $0x1;
	_ =	shalt  }
.LBB2_1:
.Ltmp3:
0x279: {  	(pc) =	sbr.rel .LBB2_6-.Ltmp3, $2  }
0x27a: {  	_ =	sdelay $0x2  }
0x27b: {  	s29 =	simm.s32 $0xB60  }
.LBB2_3:
.Ltmp4:
0x27c: {  	(pc) =	sbr.rel .LBB2_6-.Ltmp4, $4  }
0x27d: {  	_ = 	snop  }
0x27e: {  	s29 =	simm.s32 $0xB60  }
0x27f: {  	s20 =	rddreg [dreg:$0x5];
	s22 =	simm.s32 $0xA80;
	s23 =	simm.s32 $0x9A0  }
0x280: {  	s24 =	simm.s32 $0x8C0;
	s25 =	simm.s32 $0x7E0;
	s30 =	simm.s32 $0x700  }
.Lfunc_end2:
_tile_overlayer_lowered:
.L_overlay_start_2:
0x281: {  	(tag) =	ssettag $0x2  }
0x282: {  	s0 =	rddreg [dreg:$0x0];
	s2 =	stileid.u32  }
0x283: {  	s1 =	rddreg [dreg:$0x1];
	p0 =	sne.s32 s2, $0x0  }
0x284: {  	s3 =	rddreg [dreg:$0x2];
	[bflag:$0x3] =	sbarrier.arrive $0xFFFF;
	s2 =	simm.s32 @!p0 $0x1C0E  }
0x285: {  	[timem:s3], [sflag:s2] =	dma.local @!p0 [hbm:s0], s1  }
0x286: {  	s0 =	simm.s32 @!p0 $0xE  }
0x287: {  	_ =	swait.ge @!p0 [sflag:s0], s1  }
0x288: {  	s1 =	ssub.s32 @!p0 $0x0, s1;
	[sflag:s0] =	ssyncset.done @!p0 $0x0  }
0x289: {  	[sflag:s0] =	ssyncadd.s32 @!p0 s1  }
0x28a: {  	[bflag:$0x3] =	sbarrier.arrive $0xFFFF  }
0x28b: {  	_ =	shalt  }

</sc_bundles>
